<compile_context>
chip_gen: v7x
topology: tpu7x:2x2x1
jax: 0.10.2.dev20260603
libtpu: 0.0.44.dev20260713+nightly
codegen_flags: <defaults>
</compile_context>

<pallas_src>
import functools

import jax
import jax.numpy as jnp
from jax import lax
from jax.experimental import pallas as pl
from jax.experimental.pallas import tpu as pltpu
from jax.experimental.pallas import tpu_sc as plsc

N = 10000
MAX_LEN = 32
D = 128
B = 4096
NPAD = 10240
ROWS_BLK = 1024
NW = 32
BPW = B // NW
CHUNK_NODES = 4
NCHUNKS = BPW // CHUNK_NODES


def _project_body(x_ref, wa_ref, wb_ref, fa_ref, fb_ref):
    i = pl.program_id(0)
    row = i * ROWS_BLK + lax.broadcasted_iota(jnp.int32, (ROWS_BLK, 1), 0)
    x = jnp.where(row < N, x_ref[...], 0.0)
    dn = (((1,), (1,)), ((), ()))
    fa_ref[...] = lax.dot_general(x, wa_ref[...], dn,
                                  preferred_element_type=jnp.float32
                                  ).astype(jnp.bfloat16)
    fb_ref[...] = lax.dot_general(x, wb_ref[...], dn,
                                  preferred_element_type=jnp.float32
                                  ).astype(jnp.bfloat16)


def _tc_project(features, wa, wb):
    return pl.pallas_call(
        _project_body,
        grid=(NPAD // ROWS_BLK,),
        in_specs=[
            pl.BlockSpec((ROWS_BLK, D), lambda i: (i, 0)),
            pl.BlockSpec((D, D), lambda i: (0, 0)),
            pl.BlockSpec((D, D), lambda i: (0, 0)),
        ],
        out_specs=[
            pl.BlockSpec((ROWS_BLK, D), lambda i: (i, 0)),
            pl.BlockSpec((ROWS_BLK, D), lambda i: (i, 0)),
        ],
        out_shape=[
            jax.ShapeDtypeStruct((NPAD, D), jnp.bfloat16),
            jax.ShapeDtypeStruct((NPAD, D), jnp.bfloat16),
        ],
    )(features, wa, wb)


@functools.cache
def _build_sc_kernel():
    mesh = plsc.VectorSubcoreMesh(core_axis_name="c", subcore_axis_name="s")

    @functools.partial(
        pl.kernel,
        mesh=mesh,
        out_type=jax.ShapeDtypeStruct((B, D), jnp.float32),
        compiler_params=pltpu.CompilerParams(needs_layout_passes=False, use_tc_tiling_on_sc=False),
        scratch_types=[
            pltpu.VMEM((BPW,), jnp.int32),
            pltpu.VMEM((BPW, MAX_LEN), jnp.int32),
            pltpu.VMEM((BPW, MAX_LEN), jnp.float32),
            pltpu.VMEM((NCHUNKS, 128), jnp.int32),
            pltpu.VMEM((BPW,), jnp.float32),
            pltpu.VMEM((BPW, D), jnp.bfloat16),
            pltpu.VMEM((128, D), jnp.bfloat16),
            pltpu.VMEM((128, D), jnp.bfloat16),
            pltpu.VMEM((BPW, D), jnp.float32),
            pltpu.VMEM((D,), jnp.float32),
            pltpu.VMEM_SHARED((NPAD, D), jnp.bfloat16),
            pltpu.SemaphoreType.DMA,
            pltpu.SemaphoreType.DMA,
            pltpu.SemaphoreType.DMA,
        ],
    )
    def _sc_gather_agg(nodes_h, adj_h, mask_h, fa_h, fb_h, b1_h, out_h,
                       nodes_v, adj_v, mask_v, nidx, rden, selfr, nf, nf2, out_v,
                       b1_v, fbs, sem, sem2, sem3):
        wid = lax.axis_index("s") * 2 + lax.axis_index("c")
        base = wid * BPW
        pltpu.sync_copy(nodes_h.at[pl.ds(base, BPW)], nodes_v)
        pltpu.sync_copy(b1_h, b1_v)
        a_cp = pltpu.async_copy(adj_h.at[nodes_v], adj_v, sem)
        m_cp = pltpu.async_copy(mask_h.at[nodes_v], mask_v, sem)
        sid = lax.axis_index("s")
        srow = sid * (NPAD // 16)
        stg_b = pltpu.async_copy(fb_h.at[pl.ds(srow, NPAD // 16)],
                                 fbs.at[pl.ds(srow, NPAD // 16)], sem3)
        s_cp = pltpu.async_copy(fa_h.at[nodes_v], selfr, sem2)
        a_cp.wait()
        m_cp.wait()

        def prep_body(r, carry):
            m0 = mask_v[r, pl.ds(0, 16)]
            m1 = mask_v[r, pl.ds(16, 16)]
            a0 = adj_v[r, pl.ds(0, 16)]
            a1 = adj_v[r, pl.ds(16, 16)]
            pad = jnp.int32(N) + lax.rem(r, 224).astype(jnp.int32)
            i0 = jnp.where(m0 > 0.0, a0, pad)
            i1 = jnp.where(m1 > 0.0, a1, pad)
            p = r * MAX_LEN
            nidx[p // 128, pl.ds(lax.rem(p, 128), 16)] = i0
            nidx[p // 128, pl.ds(lax.rem(p, 128) + 16, 16)] = i1
            return carry

        lax.fori_loop(0, BPW, prep_body, 0)

        lanes = lax.iota(jnp.int32, 16)

        def den_body(g, carry):
            rows = g * 16 + lanes

            def col_body(j, den):
                jj = jnp.full((16,), 0, jnp.int32) + j
                return den + plsc.load_gather(mask_v, [rows, jj])

            den = lax.fori_loop(0, MAX_LEN, col_body,
                                jnp.zeros((16,), jnp.float32))
            rden[pl.ds(g * 16, 16)] = 1.0 / jnp.maximum(den, 1.0)
            return carry

        lax.fori_loop(0, BPW // 16, den_body, 0)
        s_cp.wait()
        stg_b.wait()
        plsc.subcore_barrier()

        def accumulate(c, buf):
            def node_body(n, carry2):
                node = c * CHUNK_NODES + n
                nn = jnp.full((16,), 0, jnp.int32) + node
                rd = plsc.load_gather(rden, [nn])

                def d_body(k, carry3):
                    col = k * 32
                    acc_e = jnp.zeros((16,), jnp.float32)
                    acc_o = jnp.zeros((16,), jnp.float32)
                    for j in range(MAX_LEN):
                        v = buf[n * MAX_LEN + j, pl.ds(col, 32)]
                        e, o = plsc.unpack(
                            v, format=plsc.PackFormat.INTERLEAVED,
                            preferred_element_type=jnp.float32)
                        acc_e = acc_e + e
                        acc_o = acc_o + o
                    sv = selfr[node, pl.ds(col, 32)]
                    se, so = plsc.unpack(
                        sv, format=plsc.PackFormat.INTERLEAVED,
                        preferred_element_type=jnp.float32)
                    for acc, s, cb in ((acc_e, se, col), (acc_o, so, col + 16)):
                        res = s + acc * rd + b1_v[pl.ds(cb, 16)]
                        out_v[node, pl.ds(cb, 16)] = jnp.maximum(res, 0.0)
                    return carry3

                lax.fori_loop(0, D // 32, d_body, 0)
                return carry2

            lax.fori_loop(0, CHUNK_NODES, node_body, 0)

        pltpu.async_copy(fbs.at[nidx.at[0]], nf, sem)
        npairs = NCHUNKS // 2

        def pair_body(g, carry):
            c0 = 2 * g
            pltpu.make_async_copy(fbs.at[nidx.at[c0]], nf, sem).wait()
            cp1 = pltpu.async_copy(fbs.at[nidx.at[c0 + 1]], nf2, sem2)
            accumulate(c0, nf)
            cp1.wait()

            @pl.when(g < npairs - 1)
            def _():
                pltpu.async_copy(fbs.at[nidx.at[c0 + 2]], nf, sem)

            accumulate(c0 + 1, nf2)
            return carry

        lax.fori_loop(0, npairs, pair_body, 0)
        pltpu.sync_copy(out_v, out_h.at[pl.ds(base, BPW)])

    return _sc_gather_agg


import numpy as _np

_m = _np.arange(D)
_COLOF = 32 * (_m // 32) + 16 * (_m % 2) + (_m % 32) // 2


def kernel(nodes, adj, mask, features, W1, b1):
    wa = W1[:, :D][_COLOF]
    wb = W1[:, D:][_COLOF]
    fa, fb = _tc_project(features, wa, wb)
    return _build_sc_kernel()(nodes, adj, mask, fa, fb, b1)

# --- scband reference (transcript-rebuilt; emitter-appended) ---
"""Pipeline reference for scband-social-encoder-35072702939234 (READ-ONLY COPY).

The authoritative reference and input builder live on the scoring server;
editing this copy changes nothing except your own understanding.
"""

import jax, jax.numpy as jnp
import numpy as np

N = 10000
MAX_LEN = 32
D = 128
B = 4096

def setup_inputs(seed: int = 0) -> dict:
    key = jax.random.key(seed)
    k1, k2, k3, k4, k5 = jax.random.split(key, 5)
    nodes = jax.random.randint(k1, (B,), 0, N, dtype=jnp.int32)
    adj = jax.random.randint(k2, (N, MAX_LEN), 0, N, dtype=jnp.int32)
    mask = jax.random.randint(k3, (N, MAX_LEN), 0, 2).astype(jnp.float32)
    features = jax.random.normal(k4, (N, D), dtype=jnp.float32) * 0.1
    wk, bk = jax.random.split(k5)
    W1 = jax.random.normal(wk, (D, 2 * D), dtype=jnp.float32) * (1.0 / np.sqrt(2 * D))
    b1 = jax.random.uniform(bk, (D,), dtype=jnp.float32, minval=-0.01, maxval=0.01)
    return {"nodes": nodes, "adj": adj, "mask": mask, "features": features, "W1": W1, "b1": b1}

def reference(nodes, adj, mask, features, W1, b1):
    # buffer lookup: social_adj_lists[nodes], social_mask[nodes]
    to_neighs = jnp.take(adj, nodes, axis=0)            # [B, MAX_LEN]
    neigh_mask = jnp.take(mask, nodes, axis=0)          # [B, MAX_LEN]
    # aggregator (GraphRec Social_Aggregator): masked mean of neighbor embeddings
    neigh_feats = jnp.take(features, to_neighs, axis=0)  # [B, MAX_LEN, D]
    denom = jnp.clip(jnp.sum(neigh_mask, axis=1, keepdims=True), 1.0, None)
    agg = jnp.sum(neigh_feats * neigh_mask[:, :, None], axis=1) / denom  # [B, D]
    # self features: features(nodes) (embedding lookup; .t() in torch just fixes layout)
    self_feats = jnp.take(features, nodes, axis=0)       # [B, D]
    combined = jnp.concatenate([self_feats, agg], axis=1)  # [B, 2D]
    out = jax.nn.relu(combined @ W1.T + b1)              # Linear(2D -> D) + ReLU
    return out

if __name__ == "__main__":
    import jax
    _d = setup_inputs()
    print(jax.jit(kernel)(*tuple(_d.values())))

</pallas_src>

<mosaic_0001>
#map = affine_map<(d0, d1) -> (0)>
#map1 = affine_map<(d0, d1) -> (0, 0)>
module attributes {stable_mosaic.version = 14 : i64} {
  func.func @_sc_gather_agg(%arg0: i32, %arg1: i32, %arg2: memref<4096xi32, #tpu.memory_space<hbm>>, %arg3: memref<10000x32xi32, #tpu.memory_space<hbm>>, %arg4: memref<10000x32xf32, #tpu.memory_space<hbm>>, %arg5: memref<10240x128xbf16, #tpu.memory_space<hbm>>, %arg6: memref<10240x128xbf16, #tpu.memory_space<hbm>>, %arg7: memref<128xf32, #tpu.memory_space<hbm>>, %arg8: memref<4096x128xf32, #tpu.memory_space<hbm>>, %arg9: memref<128xi32, #tpu.memory_space<vmem>>, %arg10: memref<128x32xi32, #tpu.memory_space<vmem>>, %arg11: memref<128x32xf32, #tpu.memory_space<vmem>>, %arg12: memref<32x128xi32, #tpu.memory_space<vmem>>, %arg13: memref<128xf32, #tpu.memory_space<vmem>>, %arg14: memref<128x128xbf16, #tpu.memory_space<vmem>>, %arg15: memref<128x128xbf16, #tpu.memory_space<vmem>>, %arg16: memref<128x128xbf16, #tpu.memory_space<vmem>>, %arg17: memref<128x128xf32, #tpu.memory_space<vmem>>, %arg18: memref<128xf32, #tpu.memory_space<vmem>>, %arg19: memref<10240x128xbf16, #tpu.memory_space<vmem_shared>>, %arg20: memref<!tpu.dma_semaphore, #tpu.memory_space<semaphore_mem>>, %arg21: memref<!tpu.dma_semaphore, #tpu.memory_space<semaphore_mem>>, %arg22: memref<!tpu.dma_semaphore, #tpu.memory_space<semaphore_mem>>) attributes {dimension_semantics = [#tpu.dimension_semantics<core_parallel>, #tpu.dimension_semantics<subcore_parallel>], iteration_bounds = array<i64: 2, 16>, scalar_prefetch = 0 : i64, scratch_operands = 14 : i64, tpu.core_type = #tpu.core_type<sc_vector_subcore>, window_params = [{transform_indices = #map}, {transform_indices = #map1}, {transform_indices = #map1}, {transform_indices = #map1}, {transform_indices = #map1}, {transform_indices = #map}, {transform_indices = #map1}]} {
    %mul3A = arith.constant 2 : i32
    %mul3A_0 = arith.muli %arg1, %mul3A : i32
    %add3A = arith.addi %mul3A_0, %arg0 : i32
    %mul3A_1 = arith.constant 128 : i32
    %mul3A_2 = arith.muli %add3A, %mul3A_1 : i32
    "tpu.region"() ({
      %run_scoped3A = tpu.sem_alloc : memref<!tpu.dma_semaphore, #tpu.memory_space<semaphore_mem>>
      %dma_start3A_53 = tpu.memref_slice %arg2[%mul3A_2] : memref<4096xi32, #tpu.memory_space<hbm>> -> memref<128xi32, #tpu.memory_space<hbm>>
      %dma_start3A_54 = tpu.memref_slice %arg2[%mul3A_2] : memref<4096xi32, #tpu.memory_space<hbm>> -> memref<128xi32, #tpu.memory_space<hbm>>
      tpu.enqueue_dma source(%dma_start3A_54 : memref<128xi32, #tpu.memory_space<hbm>>) target(%arg9 : memref<128xi32, #tpu.memory_space<vmem>>) target_semaphore(%run_scoped3A : memref<!tpu.dma_semaphore, #tpu.memory_space<semaphore_mem>>)
      %dma_wait3A_55 = tpu.memref_slice %arg2[%mul3A_2] : memref<4096xi32, #tpu.memory_space<hbm>> -> memref<128xi32, #tpu.memory_space<hbm>>
      %dma_wait3A_56 = tpu.memref_slice %arg2[%mul3A_2] : memref<4096xi32, #tpu.memory_space<hbm>> -> memref<128xi32, #tpu.memory_space<hbm>>
      tpu.wait_dma2 semaphore(%run_scoped3A : memref<!tpu.dma_semaphore, #tpu.memory_space<semaphore_mem>>) src(%dma_wait3A_56 : memref<128xi32, #tpu.memory_space<hbm>>) dst(%arg9 : memref<128xi32, #tpu.memory_space<vmem>>)
      tpu.yield
    }) : () -> ()
    "tpu.region"() ({
      %run_scoped3A = tpu.sem_alloc : memref<!tpu.dma_semaphore, #tpu.memory_space<semaphore_mem>>
      tpu.enqueue_dma source(%arg7 : memref<128xf32, #tpu.memory_space<hbm>>) target(%arg18 : memref<128xf32, #tpu.memory_space<vmem>>) target_semaphore(%run_scoped3A : memref<!tpu.dma_semaphore, #tpu.memory_space<semaphore_mem>>)
      tpu.wait_dma2 semaphore(%run_scoped3A : memref<!tpu.dma_semaphore, #tpu.memory_space<semaphore_mem>>) src(%arg7 : memref<128xf32, #tpu.memory_space<hbm>>) dst(%arg18 : memref<128xf32, #tpu.memory_space<vmem>>)
      tpu.yield
    }) : () -> ()
    %dma_start3A = arith.constant 0 : i32
    %dma_start3A_3 = arith.constant 0 : i32
    %dma_start3A_4 = tpu.memref_slice %arg3[%dma_start3A, %dma_start3A_3] : memref<10000x32xi32, #tpu.memory_space<hbm>> -> memref<10000x32xi32, #tpu.memory_space<hbm>>
    tpu.enqueue_indirect_dma source(%dma_start3A_4 : memref<10000x32xi32, #tpu.memory_space<hbm>>) target(%arg10 : memref<128x32xi32, #tpu.memory_space<vmem>>) offsets(%arg9 : memref<128xi32, #tpu.memory_space<vmem>>) semaphore(%arg20 : memref<!tpu.dma_semaphore, #tpu.memory_space<semaphore_mem>>)
    %dma_start3A_5 = arith.constant 0 : i32
    %dma_start3A_6 = arith.constant 0 : i32
    %dma_start3A_7 = tpu.memref_slice %arg4[%dma_start3A_5, %dma_start3A_6] : memref<10000x32xf32, #tpu.memory_space<hbm>> -> memref<10000x32xf32, #tpu.memory_space<hbm>>
    tpu.enqueue_indirect_dma source(%dma_start3A_7 : memref<10000x32xf32, #tpu.memory_space<hbm>>) target(%arg11 : memref<128x32xf32, #tpu.memory_space<vmem>>) offsets(%arg9 : memref<128xi32, #tpu.memory_space<vmem>>) semaphore(%arg20 : memref<!tpu.dma_semaphore, #tpu.memory_space<semaphore_mem>>)
    %mul3A_8 = arith.constant 640 : i32
    %mul3A_9 = arith.muli %arg1, %mul3A_8 : i32
    %dma_start3A_10 = arith.constant 0 : i32
    %dma_start3A_11 = tpu.memref_slice %arg19[%mul3A_9, %dma_start3A_10] : memref<10240x128xbf16, #tpu.memory_space<vmem_shared>> -> memref<640x128xbf16, #tpu.memory_space<vmem_shared>>
    %dma_start3A_12 = arith.constant 0 : i32
    %dma_start3A_13 = tpu.memref_slice %arg6[%mul3A_9, %dma_start3A_12] : memref<10240x128xbf16, #tpu.memory_space<hbm>> -> memref<640x128xbf16, #tpu.memory_space<hbm>>
    tpu.enqueue_dma source(%dma_start3A_13 : memref<640x128xbf16, #tpu.memory_space<hbm>>) target(%dma_start3A_11 : memref<640x128xbf16, #tpu.memory_space<vmem_shared>>) target_semaphore(%arg22 : memref<!tpu.dma_semaphore, #tpu.memory_space<semaphore_mem>>)
    %dma_start3A_14 = arith.constant 0 : i32
    %dma_start3A_15 = arith.constant 0 : i32
    %dma_start3A_16 = tpu.memref_slice %arg5[%dma_start3A_14, %dma_start3A_15] : memref<10240x128xbf16, #tpu.memory_space<hbm>> -> memref<10240x128xbf16, #tpu.memory_space<hbm>>
    tpu.enqueue_indirect_dma source(%dma_start3A_16 : memref<10240x128xbf16, #tpu.memory_space<hbm>>) target(%arg14 : memref<128x128xbf16, #tpu.memory_space<vmem>>) offsets(%arg9 : memref<128xi32, #tpu.memory_space<vmem>>) semaphore(%arg21 : memref<!tpu.dma_semaphore, #tpu.memory_space<semaphore_mem>>)
    %dma_wait3A = arith.constant 0 : i32
    %dma_wait3A_17 = arith.constant 0 : i32
    %dma_wait3A_18 = tpu.memref_slice %arg3[%dma_wait3A, %dma_wait3A_17] : memref<10000x32xi32, #tpu.memory_space<hbm>> -> memref<10000x32xi32, #tpu.memory_space<hbm>>
    tpu.wait_indirect_dma semaphore(%arg20 : memref<!tpu.dma_semaphore, #tpu.memory_space<semaphore_mem>>) src(%dma_wait3A_18 : memref<10000x32xi32, #tpu.memory_space<hbm>>) dst(%arg10 : memref<128x32xi32, #tpu.memory_space<vmem>>)
    %dma_wait3A_19 = arith.constant 0 : i32
    %dma_wait3A_20 = arith.constant 0 : i32
    %dma_wait3A_21 = tpu.memref_slice %arg4[%dma_wait3A_19, %dma_wait3A_20] : memref<10000x32xf32, #tpu.memory_space<hbm>> -> memref<10000x32xf32, #tpu.memory_space<hbm>>
    tpu.wait_indirect_dma semaphore(%arg20 : memref<!tpu.dma_semaphore, #tpu.memory_space<semaphore_mem>>) src(%dma_wait3A_21 : memref<10000x32xf32, #tpu.memory_space<hbm>>) dst(%arg11 : memref<128x32xf32, #tpu.memory_space<vmem>>)
    %scan3A = arith.constant 0 : i32
    %scan3A_22 = arith.constant 0 : i32
    %scan3A_23 = arith.constant 128 : i32
    %scan3A_24 = arith.addi %scan3A_22, %scan3A_23 : i32
    %scan3A_25 = arith.constant 1 : i32
    scf.for %scan3A_53 = %scan3A_22 to %scan3A_24 step %scan3A_25  : i32 {
      %get3A = arith.index_cast %scan3A_53 : i32 to index
      %get3A_54 = arith.constant 0 : index
      %get3A_55 = tpu.vector_load %arg11[%get3A, %get3A_54] {strides = array<i32>} : memref<128x32xf32, #tpu.memory_space<vmem>>, vector<16xf32>,
      %get3A_56 = arith.index_cast %scan3A_53 : i32 to index
      %get3A_57 = arith.constant 16 : index
      %get3A_58 = tpu.vector_load %arg11[%get3A_56, %get3A_57] {strides = array<i32>} : memref<128x32xf32, #tpu.memory_space<vmem>>, vector<16xf32>,
      %get3A_59 = arith.index_cast %scan3A_53 : i32 to index
      %get3A_60 = arith.constant 0 : index
      %get3A_61 = tpu.vector_load %arg10[%get3A_59, %get3A_60] {strides = array<i32>} : memref<128x32xi32, #tpu.memory_space<vmem>>, vector<16xi32>,
      %get3A_62 = arith.index_cast %scan3A_53 : i32 to index
      %get3A_63 = arith.constant 16 : index
      %get3A_64 = tpu.vector_load %arg10[%get3A_62, %get3A_63] {strides = array<i32>} : memref<128x32xi32, #tpu.memory_space<vmem>>, vector<16xi32>,
      %rem3A = arith.constant 224 : i32
      %rem3A_65 = arith.remsi %scan3A_53, %rem3A : i32
      %add3A_66 = arith.constant 10000 : i32
      %add3A_67 = arith.addi %add3A_66, %rem3A_65 : i32
      %gt3A = arith.constant 0.000000e+00 : f32
      %gt3A_68 = vector.broadcast %gt3A : f32 to vector<16xf32>
      %gt3A_69 = arith.cmpf ogt, %get3A_55, %gt3A_68 : vector<16xf32>
      %broadcast_in_dim3A = vector.broadcast %add3A_67 : i32 to vector<16xi32>
      %select_n3A = arith.select %gt3A_69, %get3A_61, %broadcast_in_dim3A : vector<16xi1>, vector<16xi32>
      %gt3A_70 = arith.constant 0.000000e+00 : f32
      %gt3A_71 = vector.broadcast %gt3A_70 : f32 to vector<16xf32>
      %gt3A_72 = arith.cmpf ogt, %get3A_58, %gt3A_71 : vector<16xf32>
      %broadcast_in_dim3A_73 = vector.broadcast %add3A_67 : i32 to vector<16xi32>
      %select_n3A_74 = arith.select %gt3A_72, %get3A_64, %broadcast_in_dim3A_73 : vector<16xi1>, vector<16xi32>
      %mul3A_75 = arith.constant 32 : i32
      %mul3A_76 = arith.muli %scan3A_53, %mul3A_75 : i32
      %jit3A = arith.constant 128 : i32
      %div3A = arith.divsi %mul3A_76, %jit3A : i32
      %sign3A = arith.constant 0 : i32
      %sign3A_77 = arith.cmpi sgt, %mul3A_76, %sign3A : i32
      %sign3A_78 = arith.extui %sign3A_77 : i1 to i32
      %sign3A_79 = arith.constant 0 : i32
      %sign3A_80 = arith.cmpi slt, %mul3A_76, %sign3A_79 : i32
      %sign3A_81 = arith.extui %sign3A_80 : i1 to i32
      %sign3A_82 = arith.subi %sign3A_78, %sign3A_81 : i32
      %sign3A_83 = arith.constant 0 : i32
      %sign3A_84 = arith.cmpi sgt, %jit3A, %sign3A_83 : i32
      %sign3A_85 = arith.extui %sign3A_84 : i1 to i32
      %sign3A_86 = arith.constant 0 : i32
      %sign3A_87 = arith.cmpi slt, %jit3A, %sign3A_86 : i32
      %sign3A_88 = arith.extui %sign3A_87 : i1 to i32
      %sign3A_89 = arith.subi %sign3A_85, %sign3A_88 : i32
      %ne3A = arith.cmpi ne, %sign3A_82, %sign3A_89 : i32
      %rem3A_90 = arith.remsi %mul3A_76, %jit3A : i32
      %ne3A_91 = arith.constant 0 : i32
      %ne3A_92 = arith.cmpi ne, %rem3A_90, %ne3A_91 : i32
      %and3A = arith.andi %ne3A, %ne3A_92 : i1
      %sub3A = arith.constant 1 : i32
      %sub3A_93 = arith.subi %div3A, %sub3A : i32
      %select_n3A_94 = arith.select %and3A, %sub3A_93, %div3A : i32
      %rem3A_95 = arith.constant 128 : i32
      %rem3A_96 = arith.remsi %mul3A_76, %rem3A_95 : i32
      %swap3A = arith.index_cast %select_n3A_94 : i32 to index
      %swap3A_97 = arith.index_cast %rem3A_96 : i32 to index
      %swap3A_98 = tpu.vector_load %arg12[%swap3A, %swap3A_97] {strides = array<i32>} : memref<32x128xi32, #tpu.memory_space<vmem>>, vector<16xi32>,
      tpu.vector_store %arg12[%swap3A, %swap3A_97], %select_n3A {strides = array<i32>} : memref<32x128xi32, #tpu.memory_space<vmem>>, vector<16xi32>,
      %jit3A_99 = arith.constant 128 : i32
      %div3A_100 = arith.divsi %mul3A_76, %jit3A_99 : i32
      %sign3A_101 = arith.constant 0 : i32
      %sign3A_102 = arith.cmpi sgt, %mul3A_76, %sign3A_101 : i32
      %sign3A_103 = arith.extui %sign3A_102 : i1 to i32
      %sign3A_104 = arith.constant 0 : i32
      %sign3A_105 = arith.cmpi slt, %mul3A_76, %sign3A_104 : i32
      %sign3A_106 = arith.extui %sign3A_105 : i1 to i32
      %sign3A_107 = arith.subi %sign3A_103, %sign3A_106 : i32
      %sign3A_108 = arith.constant 0 : i32
      %sign3A_109 = arith.cmpi sgt, %jit3A_99, %sign3A_108 : i32
      %sign3A_110 = arith.extui %sign3A_109 : i1 to i32
      %sign3A_111 = arith.constant 0 : i32
      %sign3A_112 = arith.cmpi slt, %jit3A_99, %sign3A_111 : i32
      %sign3A_113 = arith.extui %sign3A_112 : i1 to i32
      %sign3A_114 = arith.subi %sign3A_110, %sign3A_113 : i32
      %ne3A_115 = arith.cmpi ne, %sign3A_107, %sign3A_114 : i32
      %rem3A_116 = arith.remsi %mul3A_76, %jit3A_99 : i32
      %ne3A_117 = arith.constant 0 : i32
      %ne3A_118 = arith.cmpi ne, %rem3A_116, %ne3A_117 : i32
      %and3A_119 = arith.andi %ne3A_115, %ne3A_118 : i1
      %sub3A_120 = arith.constant 1 : i32
      %sub3A_121 = arith.subi %div3A_100, %sub3A_120 : i32
      %select_n3A_122 = arith.select %and3A_119, %sub3A_121, %div3A_100 : i32
      %rem3A_123 = arith.constant 128 : i32
      %rem3A_124 = arith.remsi %mul3A_76, %rem3A_123 : i32
      %add3A_125 = arith.constant 16 : i32
      %add3A_126 = arith.addi %rem3A_124, %add3A_125 : i32
      %swap3A_127 = arith.index_cast %select_n3A_122 : i32 to index
      %swap3A_128 = arith.index_cast %add3A_126 : i32 to index
      %swap3A_129 = tpu.vector_load %arg12[%swap3A_127, %swap3A_128] {strides = array<i32>} : memref<32x128xi32, #tpu.memory_space<vmem>>, vector<16xi32>,
      tpu.vector_store %arg12[%swap3A_127, %swap3A_128], %select_n3A_74 {strides = array<i32>} : memref<32x128xi32, #tpu.memory_space<vmem>>, vector<16xi32>,
    }
    %scan3A_26 = arith.constant 128 : i32
    %iota3A = tpu.iota {dimensions = array<i32: 0>} : vector<16xi32>
    %scan3A_27 = arith.constant 0 : i32
    %scan3A_28 = arith.constant 0 : i32
    %scan3A_29 = arith.constant 8 : i32
    %scan3A_30 = arith.addi %scan3A_28, %scan3A_29 : i32
    %scan3A_31 = arith.constant 1 : i32
    scf.for %scan3A_53 = %scan3A_28 to %scan3A_30 step %scan3A_31  : i32 {
      %mul3A_54 = arith.constant 16 : i32
      %mul3A_55 = arith.muli %scan3A_53, %mul3A_54 : i32
      %add3A_56 = vector.broadcast %mul3A_55 : i32 to vector<16xi32>
      %add3A_57 = arith.addi %add3A_56, %iota3A : vector<16xi32>
      %broadcast_in_dim3A = arith.constant 0.000000e+00 : f32
      %broadcast_in_dim3A_58 = vector.broadcast %broadcast_in_dim3A : f32 to vector<16xf32>
      %scan3A_59 = arith.constant 0 : i32
      %scan3A_60 = arith.constant 32 : i32
      %scan3A_61 = arith.addi %scan3A_59, %scan3A_60 : i32
      %scan3A_62 = arith.constant 1 : i32
      %scan3A_63 = scf.for %scan3A_72 = %scan3A_59 to %scan3A_61 step %scan3A_62 iter_args(%scan3A_73 = %broadcast_in_dim3A_58) -> (vector<16xf32>)  : i32 {
        %broadcast_in_dim3A_74 = arith.constant 0 : i32
        %broadcast_in_dim3A_75 = vector.broadcast %broadcast_in_dim3A_74 : i32 to vector<16xi32>
        %add3A_76 = vector.broadcast %scan3A_72 : i32 to vector<16xi32>
        %add3A_77 = arith.addi %broadcast_in_dim3A_75, %add3A_76 : vector<16xi32>
        %gather3A = tpu.vector_load_idx %arg11[%add3A_57, %add3A_77] : memref<128x32xf32, #tpu.memory_space<vmem>>[vector<16xi32>, vector<16xi32>], vector<16xf32>,
        %add3A_78 = arith.addf %scan3A_73, %gather3A : vector<16xf32>
        scf.yield %add3A_78 : vector<16xf32>
      }
      %scan3A_64 = arith.constant 32 : i32
      %max3A = arith.constant 1.000000e+00 : f32
      %max3A_65 = vector.broadcast %max3A : f32 to vector<16xf32>
      %max3A_66 = arith.maximumf %scan3A_63, %max3A_65 : vector<16xf32>
      %div3A = arith.constant 1.000000e+00 : f32
      %div3A_67 = vector.broadcast %div3A : f32 to vector<16xf32>
      %div3A_68 = arith.divf %div3A_67, %max3A_66 : vector<16xf32>
      %mul3A_69 = arith.constant 16 : i32
      %mul3A_70 = arith.muli %scan3A_53, %mul3A_69 : i32
      %swap3A = arith.index_cast %mul3A_70 : i32 to index
      %swap3A_71 = tpu.vector_load %arg13[%swap3A] {strides = array<i32>} : memref<128xf32, #tpu.memory_space<vmem>>, vector<16xf32>,
      tpu.vector_store %arg13[%swap3A], %div3A_68 {strides = array<i32>} : memref<128xf32, #tpu.memory_space<vmem>>, vector<16xf32>,
    }
    %scan3A_32 = arith.constant 8 : i32
    %dma_wait3A_33 = arith.constant 0 : i32
    %dma_wait3A_34 = arith.constant 0 : i32
    %dma_wait3A_35 = tpu.memref_slice %arg5[%dma_wait3A_33, %dma_wait3A_34] : memref<10240x128xbf16, #tpu.memory_space<hbm>> -> memref<10240x128xbf16, #tpu.memory_space<hbm>>
    tpu.wait_indirect_dma semaphore(%arg21 : memref<!tpu.dma_semaphore, #tpu.memory_space<semaphore_mem>>) src(%dma_wait3A_35 : memref<10240x128xbf16, #tpu.memory_space<hbm>>) dst(%arg14 : memref<128x128xbf16, #tpu.memory_space<vmem>>)
    %dma_wait3A_36 = arith.constant 0 : i32
    %dma_wait3A_37 = tpu.memref_slice %arg19[%mul3A_9, %dma_wait3A_36] : memref<10240x128xbf16, #tpu.memory_space<vmem_shared>> -> memref<640x128xbf16, #tpu.memory_space<vmem_shared>>
    %dma_wait3A_38 = arith.constant 0 : i32
    %dma_wait3A_39 = tpu.memref_slice %arg6[%mul3A_9, %dma_wait3A_38] : memref<10240x128xbf16, #tpu.memory_space<hbm>> -> memref<640x128xbf16, #tpu.memory_space<hbm>>
    tpu.wait_dma2 semaphore(%arg22 : memref<!tpu.dma_semaphore, #tpu.memory_space<semaphore_mem>>) src(%dma_wait3A_39 : memref<640x128xbf16, #tpu.memory_space<hbm>>) dst(%dma_wait3A_37 : memref<640x128xbf16, #tpu.memory_space<vmem_shared>>)
    %barrier3A = arith.constant 0 : index
    tpu.barrier barrier_id(%barrier3A)
    %dma_start3A_40 = arith.constant 0 : i32
    %dma_start3A_41 = arith.constant 0 : i32
    %dma_start3A_42 = tpu.memref_slice %arg12[%dma_start3A_40, %dma_start3A_41] : memref<32x128xi32, #tpu.memory_space<vmem>> -> memref<1x128xi32, #tpu.memory_space<vmem>>
    %dma_start3A_43 = tpu.memref_squeeze %dma_start3A_42 : memref<1x128xi32, #tpu.memory_space<vmem>> -> memref<128xi32, #tpu.memory_space<vmem>>
    %dma_start3A_44 = arith.constant 0 : i32
    %dma_start3A_45 = arith.constant 0 : i32
    %dma_start3A_46 = tpu.memref_slice %arg19[%dma_start3A_44, %dma_start3A_45] : memref<10240x128xbf16, #tpu.memory_space<vmem_shared>> -> memref<10240x128xbf16, #tpu.memory_space<vmem_shared>>
    tpu.enqueue_indirect_dma source(%dma_start3A_46 : memref<10240x128xbf16, #tpu.memory_space<vmem_shared>>) target(%arg15 : memref<128x128xbf16, #tpu.memory_space<vmem>>) offsets(%dma_start3A_43 : memref<128xi32, #tpu.memory_space<vmem>>) semaphore(%arg20 : memref<!tpu.dma_semaphore, #tpu.memory_space<semaphore_mem>>)
    %scan3A_47 = arith.constant 0 : i32
    %scan3A_48 = arith.constant 0 : i32
    %scan3A_49 = arith.constant 16 : i32
    %scan3A_50 = arith.addi %scan3A_48, %scan3A_49 : i32
    %scan3A_51 = arith.constant 1 : i32
    scf.for %scan3A_53 = %scan3A_48 to %scan3A_50 step %scan3A_51  : i32 {
      %mul3A_54 = arith.constant 2 : i32
      %mul3A_55 = arith.muli %mul3A_54, %scan3A_53 : i32
      %dma_wait3A_56 = arith.constant 0 : i32
      %dma_wait3A_57 = tpu.memref_slice %arg12[%mul3A_55, %dma_wait3A_56] : memref<32x128xi32, #tpu.memory_space<vmem>> -> memref<1x128xi32, #tpu.memory_space<vmem>>
      %dma_wait3A_58 = tpu.memref_squeeze %dma_wait3A_57 : memref<1x128xi32, #tpu.memory_space<vmem>> -> memref<128xi32, #tpu.memory_space<vmem>>
      %dma_wait3A_59 = arith.constant 0 : i32
      %dma_wait3A_60 = arith.constant 0 : i32
      %dma_wait3A_61 = tpu.memref_slice %arg19[%dma_wait3A_59, %dma_wait3A_60] : memref<10240x128xbf16, #tpu.memory_space<vmem_shared>> -> memref<10240x128xbf16, #tpu.memory_space<vmem_shared>>
      tpu.wait_indirect_dma semaphore(%arg20 : memref<!tpu.dma_semaphore, #tpu.memory_space<semaphore_mem>>) src(%dma_wait3A_61 : memref<10240x128xbf16, #tpu.memory_space<vmem_shared>>) dst(%arg15 : memref<128x128xbf16, #tpu.memory_space<vmem>>)
      %add3A_62 = arith.constant 1 : i32
      %add3A_63 = arith.addi %mul3A_55, %add3A_62 : i32
      %dma_start3A_64 = arith.constant 0 : i32
      %dma_start3A_65 = tpu.memref_slice %arg12[%add3A_63, %dma_start3A_64] : memref<32x128xi32, #tpu.memory_space<vmem>> -> memref<1x128xi32, #tpu.memory_space<vmem>>
      %dma_start3A_66 = tpu.memref_squeeze %dma_start3A_65 : memref<1x128xi32, #tpu.memory_space<vmem>> -> memref<128xi32, #tpu.memory_space<vmem>>
      %dma_start3A_67 = arith.constant 0 : i32
      %dma_start3A_68 = arith.constant 0 : i32
      %dma_start3A_69 = tpu.memref_slice %arg19[%dma_start3A_67, %dma_start3A_68] : memref<10240x128xbf16, #tpu.memory_space<vmem_shared>> -> memref<10240x128xbf16, #tpu.memory_space<vmem_shared>>
      tpu.enqueue_indirect_dma source(%dma_start3A_69 : memref<10240x128xbf16, #tpu.memory_space<vmem_shared>>) target(%arg16 : memref<128x128xbf16, #tpu.memory_space<vmem>>) offsets(%dma_start3A_66 : memref<128xi32, #tpu.memory_space<vmem>>) semaphore(%arg21 : memref<!tpu.dma_semaphore, #tpu.memory_space<semaphore_mem>>)
      %scan3A_70 = arith.constant 0 : i32
      %scan3A_71 = arith.constant 0 : i32
      %scan3A_72 = arith.constant 4 : i32
      %scan3A_73 = arith.addi %scan3A_71, %scan3A_72 : i32
      %scan3A_74 = arith.constant 1 : i32
      scf.for %scan3A_92 = %scan3A_71 to %scan3A_73 step %scan3A_74  : i32 {
        %mul3A_93 = arith.constant 4 : i32
        %mul3A_94 = arith.muli %mul3A_55, %mul3A_93 : i32
        %add3A_95 = arith.addi %mul3A_94, %scan3A_92 : i32
        %broadcast_in_dim3A = arith.constant 0 : i32
        %broadcast_in_dim3A_96 = vector.broadcast %broadcast_in_dim3A : i32 to vector<16xi32>
        %add3A_97 = vector.broadcast %add3A_95 : i32 to vector<16xi32>
        %add3A_98 = arith.addi %broadcast_in_dim3A_96, %add3A_97 : vector<16xi32>
        %gather3A = tpu.vector_load_idx %arg13[%add3A_98] : memref<128xf32, #tpu.memory_space<vmem>>[vector<16xi32>], vector<16xf32>,
        %scan3A_99 = arith.constant 0 : i32
        %scan3A_100 = arith.constant 0 : i32
        %scan3A_101 = arith.constant 4 : i32
        %scan3A_102 = arith.addi %scan3A_100, %scan3A_101 : i32
        %scan3A_103 = arith.constant 1 : i32
        scf.for %scan3A_105 = %scan3A_100 to %scan3A_102 step %scan3A_103  : i32 {
          %mul3A_106 = arith.constant 32 : i32
          %mul3A_107 = arith.muli %scan3A_105, %mul3A_106 : i32
          %broadcast_in_dim3A_108 = arith.constant 0.000000e+00 : f32
          %broadcast_in_dim3A_109 = vector.broadcast %broadcast_in_dim3A_108 : f32 to vector<16xf32>
          %broadcast_in_dim3A_110 = arith.constant 0.000000e+00 : f32
          %broadcast_in_dim3A_111 = vector.broadcast %broadcast_in_dim3A_110 : f32 to vector<16xf32>
          %mul3A_112 = arith.constant 32 : i32
          %mul3A_113 = arith.muli %scan3A_92, %mul3A_112 : i32
          %add3A_114 = arith.constant 0 : i32
          %add3A_115 = arith.addi %mul3A_113, %add3A_114 : i32
          %get3A = arith.index_cast %add3A_115 : i32 to index
          %get3A_116 = arith.index_cast %mul3A_107 : i32 to index
          %get3A_117 = tpu.vector_load %arg15[%get3A, %get3A_116] {strides = array<i32>} : memref<128x128xbf16, #tpu.memory_space<vmem>>, vector<32xbf16>,
          %unpack3A = tpu.unpack_subelements %get3A_117, 0 {pack_format = #tpu.pack_format<interleaved>} : vector<32xbf16> -> vector<16xf32>
          %unpack3A_118 = tpu.unpack_subelements %get3A_117, 1 {pack_format = #tpu.pack_format<interleaved>} : vector<32xbf16> -> vector<16xf32>
          %add3A_119 = arith.addf %broadcast_in_dim3A_109, %unpack3A : vector<16xf32>
          %add3A_120 = arith.addf %broadcast_in_dim3A_111, %unpack3A_118 : vector<16xf32>
          %mul3A_121 = arith.constant 32 : i32
          %mul3A_122 = arith.muli %scan3A_92, %mul3A_121 : i32
          %add3A_123 = arith.constant 1 : i32
          %add3A_124 = arith.addi %mul3A_122, %add3A_123 : i32
          %get3A_125 = arith.index_cast %add3A_124 : i32 to index
          %get3A_126 = arith.index_cast %mul3A_107 : i32 to index
          %get3A_127 = tpu.vector_load %arg15[%get3A_125, %get3A_126] {strides = array<i32>} : memref<128x128xbf16, #tpu.memory_space<vmem>>, vector<32xbf16>,
          %unpack3A_128 = tpu.unpack_subelements %get3A_127, 0 {pack_format = #tpu.pack_format<interleaved>} : vector<32xbf16> -> vector<16xf32>
          %unpack3A_129 = tpu.unpack_subelements %get3A_127, 1 {pack_format = #tpu.pack_format<interleaved>} : vector<32xbf16> -> vector<16xf32>
          %add3A_130 = arith.addf %add3A_119, %unpack3A_128 : vector<16xf32>
          %add3A_131 = arith.addf %add3A_120, %unpack3A_129 : vector<16xf32>
          %mul3A_132 = arith.constant 32 : i32
          %mul3A_133 = arith.muli %scan3A_92, %mul3A_132 : i32
          %add3A_134 = arith.constant 2 : i32
          %add3A_135 = arith.addi %mul3A_133, %add3A_134 : i32
          %get3A_136 = arith.index_cast %add3A_135 : i32 to index
          %get3A_137 = arith.index_cast %mul3A_107 : i32 to index
          %get3A_138 = tpu.vector_load %arg15[%get3A_136, %get3A_137] {strides = array<i32>} : memref<128x128xbf16, #tpu.memory_space<vmem>>, vector<32xbf16>,
          %unpack3A_139 = tpu.unpack_subelements %get3A_138, 0 {pack_format = #tpu.pack_format<interleaved>} : vector<32xbf16> -> vector<16xf32>
          %unpack3A_140 = tpu.unpack_subelements %get3A_138, 1 {pack_format = #tpu.pack_format<interleaved>} : vector<32xbf16> -> vector<16xf32>
          %add3A_141 = arith.addf %add3A_130, %unpack3A_139 : vector<16xf32>
          %add3A_142 = arith.addf %add3A_131, %unpack3A_140 : vector<16xf32>
          %mul3A_143 = arith.constant 32 : i32
          %mul3A_144 = arith.muli %scan3A_92, %mul3A_143 : i32
          %add3A_145 = arith.constant 3 : i32
          %add3A_146 = arith.addi %mul3A_144, %add3A_145 : i32
          %get3A_147 = arith.index_cast %add3A_146 : i32 to index
          %get3A_148 = arith.index_cast %mul3A_107 : i32 to index
          %get3A_149 = tpu.vector_load %arg15[%get3A_147, %get3A_148] {strides = array<i32>} : memref<128x128xbf16, #tpu.memory_space<vmem>>, vector<32xbf16>,
          %unpack3A_150 = tpu.unpack_subelements %get3A_149, 0 {pack_format = #tpu.pack_format<interleaved>} : vector<32xbf16> -> vector<16xf32>
          %unpack3A_151 = tpu.unpack_subelements %get3A_149, 1 {pack_format = #tpu.pack_format<interleaved>} : vector<32xbf16> -> vector<16xf32>
          %add3A_152 = arith.addf %add3A_141, %unpack3A_150 : vector<16xf32>
          %add3A_153 = arith.addf %add3A_142, %unpack3A_151 : vector<16xf32>
          %mul3A_154 = arith.constant 32 : i32
          %mul3A_155 = arith.muli %scan3A_92, %mul3A_154 : i32
          %add3A_156 = arith.constant 4 : i32
          %add3A_157 = arith.addi %mul3A_155, %add3A_156 : i32
          %get3A_158 = arith.index_cast %add3A_157 : i32 to index
          %get3A_159 = arith.index_cast %mul3A_107 : i32 to index
          %get3A_160 = tpu.vector_load %arg15[%get3A_158, %get3A_159] {strides = array<i32>} : memref<128x128xbf16, #tpu.memory_space<vmem>>, vector<32xbf16>,
          %unpack3A_161 = tpu.unpack_subelements %get3A_160, 0 {pack_format = #tpu.pack_format<interleaved>} : vector<32xbf16> -> vector<16xf32>
          %unpack3A_162 = tpu.unpack_subelements %get3A_160, 1 {pack_format = #tpu.pack_format<interleaved>} : vector<32xbf16> -> vector<16xf32>
          %add3A_163 = arith.addf %add3A_152, %unpack3A_161 : vector<16xf32>
          %add3A_164 = arith.addf %add3A_153, %unpack3A_162 : vector<16xf32>
          %mul3A_165 = arith.constant 32 : i32
          %mul3A_166 = arith.muli %scan3A_92, %mul3A_165 : i32
          %add3A_167 = arith.constant 5 : i32
          %add3A_168 = arith.addi %mul3A_166, %add3A_167 : i32
          %get3A_169 = arith.index_cast %add3A_168 : i32 to index
          %get3A_170 = arith.index_cast %mul3A_107 : i32 to index
          %get3A_171 = tpu.vector_load %arg15[%get3A_169, %get3A_170] {strides = array<i32>} : memref<128x128xbf16, #tpu.memory_space<vmem>>, vector<32xbf16>,
          %unpack3A_172 = tpu.unpack_subelements %get3A_171, 0 {pack_format = #tpu.pack_format<interleaved>} : vector<32xbf16> -> vector<16xf32>
          %unpack3A_173 = tpu.unpack_subelements %get3A_171, 1 {pack_format = #tpu.pack_format<interleaved>} : vector<32xbf16> -> vector<16xf32>
          %add3A_174 = arith.addf %add3A_163, %unpack3A_172 : vector<16xf32>
          %add3A_175 = arith.addf %add3A_164, %unpack3A_173 : vector<16xf32>
          %mul3A_176 = arith.constant 32 : i32
          %mul3A_177 = arith.muli %scan3A_92, %mul3A_176 : i32
          %add3A_178 = arith.constant 6 : i32
          %add3A_179 = arith.addi %mul3A_177, %add3A_178 : i32
          %get3A_180 = arith.index_cast %add3A_179 : i32 to index
          %get3A_181 = arith.index_cast %mul3A_107 : i32 to index
          %get3A_182 = tpu.vector_load %arg15[%get3A_180, %get3A_181] {strides = array<i32>} : memref<128x128xbf16, #tpu.memory_space<vmem>>, vector<32xbf16>,
          %unpack3A_183 = tpu.unpack_subelements %get3A_182, 0 {pack_format = #tpu.pack_format<interleaved>} : vector<32xbf16> -> vector<16xf32>
          %unpack3A_184 = tpu.unpack_subelements %get3A_182, 1 {pack_format = #tpu.pack_format<interleaved>} : vector<32xbf16> -> vector<16xf32>
          %add3A_185 = arith.addf %add3A_174, %unpack3A_183 : vector<16xf32>
          %add3A_186 = arith.addf %add3A_175, %unpack3A_184 : vector<16xf32>
          %mul3A_187 = arith.constant 32 : i32
          %mul3A_188 = arith.muli %scan3A_92, %mul3A_187 : i32
          %add3A_189 = arith.constant 7 : i32
          %add3A_190 = arith.addi %mul3A_188, %add3A_189 : i32
          %get3A_191 = arith.index_cast %add3A_190 : i32 to index
          %get3A_192 = arith.index_cast %mul3A_107 : i32 to index
          %get3A_193 = tpu.vector_load %arg15[%get3A_191, %get3A_192] {strides = array<i32>} : memref<128x128xbf16, #tpu.memory_space<vmem>>, vector<32xbf16>,
          %unpack3A_194 = tpu.unpack_subelements %get3A_193, 0 {pack_format = #tpu.pack_format<interleaved>} : vector<32xbf16> -> vector<16xf32>
          %unpack3A_195 = tpu.unpack_subelements %get3A_193, 1 {pack_format = #tpu.pack_format<interleaved>} : vector<32xbf16> -> vector<16xf32>
          %add3A_196 = arith.addf %add3A_185, %unpack3A_194 : vector<16xf32>
          %add3A_197 = arith.addf %add3A_186, %unpack3A_195 : vector<16xf32>
          %mul3A_198 = arith.constant 32 : i32
          %mul3A_199 = arith.muli %scan3A_92, %mul3A_198 : i32
          %add3A_200 = arith.constant 8 : i32
          %add3A_201 = arith.addi %mul3A_199, %add3A_200 : i32
          %get3A_202 = arith.index_cast %add3A_201 : i32 to index
          %get3A_203 = arith.index_cast %mul3A_107 : i32 to index
          %get3A_204 = tpu.vector_load %arg15[%get3A_202, %get3A_203] {strides = array<i32>} : memref<128x128xbf16, #tpu.memory_space<vmem>>, vector<32xbf16>,
          %unpack3A_205 = tpu.unpack_subelements %get3A_204, 0 {pack_format = #tpu.pack_format<interleaved>} : vector<32xbf16> -> vector<16xf32>
          %unpack3A_206 = tpu.unpack_subelements %get3A_204, 1 {pack_format = #tpu.pack_format<interleaved>} : vector<32xbf16> -> vector<16xf32>
          %add3A_207 = arith.addf %add3A_196, %unpack3A_205 : vector<16xf32>
          %add3A_208 = arith.addf %add3A_197, %unpack3A_206 : vector<16xf32>
          %mul3A_209 = arith.constant 32 : i32
          %mul3A_210 = arith.muli %scan3A_92, %mul3A_209 : i32
          %add3A_211 = arith.constant 9 : i32
          %add3A_212 = arith.addi %mul3A_210, %add3A_211 : i32
          %get3A_213 = arith.index_cast %add3A_212 : i32 to index
          %get3A_214 = arith.index_cast %mul3A_107 : i32 to index
          %get3A_215 = tpu.vector_load %arg15[%get3A_213, %get3A_214] {strides = array<i32>} : memref<128x128xbf16, #tpu.memory_space<vmem>>, vector<32xbf16>,
          %unpack3A_216 = tpu.unpack_subelements %get3A_215, 0 {pack_format = #tpu.pack_format<interleaved>} : vector<32xbf16> -> vector<16xf32>
          %unpack3A_217 = tpu.unpack_subelements %get3A_215, 1 {pack_format = #tpu.pack_format<interleaved>} : vector<32xbf16> -> vector<16xf32>
          %add3A_218 = arith.addf %add3A_207, %unpack3A_216 : vector<16xf32>
          %add3A_219 = arith.addf %add3A_208, %unpack3A_217 : vector<16xf32>
          %mul3A_220 = arith.constant 32 : i32
          %mul3A_221 = arith.muli %scan3A_92, %mul3A_220 : i32
          %add3A_222 = arith.constant 10 : i32
          %add3A_223 = arith.addi %mul3A_221, %add3A_222 : i32
          %get3A_224 = arith.index_cast %add3A_223 : i32 to index
          %get3A_225 = arith.index_cast %mul3A_107 : i32 to index
          %get3A_226 = tpu.vector_load %arg15[%get3A_224, %get3A_225] {strides = array<i32>} : memref<128x128xbf16, #tpu.memory_space<vmem>>, vector<32xbf16>,
          %unpack3A_227 = tpu.unpack_subelements %get3A_226, 0 {pack_format = #tpu.pack_format<interleaved>} : vector<32xbf16> -> vector<16xf32>
          %unpack3A_228 = tpu.unpack_subelements %get3A_226, 1 {pack_format = #tpu.pack_format<interleaved>} : vector<32xbf16> -> vector<16xf32>
          %add3A_229 = arith.addf %add3A_218, %unpack3A_227 : vector<16xf32>
          %add3A_230 = arith.addf %add3A_219, %unpack3A_228 : vector<16xf32>
          %mul3A_231 = arith.constant 32 : i32
          %mul3A_232 = arith.muli %scan3A_92, %mul3A_231 : i32
          %add3A_233 = arith.constant 11 : i32
          %add3A_234 = arith.addi %mul3A_232, %add3A_233 : i32
          %get3A_235 = arith.index_cast %add3A_234 : i32 to index
          %get3A_236 = arith.index_cast %mul3A_107 : i32 to index
          %get3A_237 = tpu.vector_load %arg15[%get3A_235, %get3A_236] {strides = array<i32>} : memref<128x128xbf16, #tpu.memory_space<vmem>>, vector<32xbf16>,
          %unpack3A_238 = tpu.unpack_subelements %get3A_237, 0 {pack_format = #tpu.pack_format<interleaved>} : vector<32xbf16> -> vector<16xf32>
          %unpack3A_239 = tpu.unpack_subelements %get3A_237, 1 {pack_format = #tpu.pack_format<interleaved>} : vector<32xbf16> -> vector<16xf32>
          %add3A_240 = arith.addf %add3A_229, %unpack3A_238 : vector<16xf32>
          %add3A_241 = arith.addf %add3A_230, %unpack3A_239 : vector<16xf32>
          %mul3A_242 = arith.constant 32 : i32
          %mul3A_243 = arith.muli %scan3A_92, %mul3A_242 : i32
          %add3A_244 = arith.constant 12 : i32
          %add3A_245 = arith.addi %mul3A_243, %add3A_244 : i32
          %get3A_246 = arith.index_cast %add3A_245 : i32 to index
          %get3A_247 = arith.index_cast %mul3A_107 : i32 to index
          %get3A_248 = tpu.vector_load %arg15[%get3A_246, %get3A_247] {strides = array<i32>} : memref<128x128xbf16, #tpu.memory_space<vmem>>, vector<32xbf16>,
          %unpack3A_249 = tpu.unpack_subelements %get3A_248, 0 {pack_format = #tpu.pack_format<interleaved>} : vector<32xbf16> -> vector<16xf32>
          %unpack3A_250 = tpu.unpack_subelements %get3A_248, 1 {pack_format = #tpu.pack_format<interleaved>} : vector<32xbf16> -> vector<16xf32>
          %add3A_251 = arith.addf %add3A_240, %unpack3A_249 : vector<16xf32>
          %add3A_252 = arith.addf %add3A_241, %unpack3A_250 : vector<16xf32>
          %mul3A_253 = arith.constant 32 : i32
          %mul3A_254 = arith.muli %scan3A_92, %mul3A_253 : i32
          %add3A_255 = arith.constant 13 : i32
          %add3A_256 = arith.addi %mul3A_254, %add3A_255 : i32
          %get3A_257 = arith.index_cast %add3A_256 : i32 to index
          %get3A_258 = arith.index_cast %mul3A_107 : i32 to index
          %get3A_259 = tpu.vector_load %arg15[%get3A_257, %get3A_258] {strides = array<i32>} : memref<128x128xbf16, #tpu.memory_space<vmem>>, vector<32xbf16>,
          %unpack3A_260 = tpu.unpack_subelements %get3A_259, 0 {pack_format = #tpu.pack_format<interleaved>} : vector<32xbf16> -> vector<16xf32>
          %unpack3A_261 = tpu.unpack_subelements %get3A_259, 1 {pack_format = #tpu.pack_format<interleaved>} : vector<32xbf16> -> vector<16xf32>
          %add3A_262 = arith.addf %add3A_251, %unpack3A_260 : vector<16xf32>
          %add3A_263 = arith.addf %add3A_252, %unpack3A_261 : vector<16xf32>
          %mul3A_264 = arith.constant 32 : i32
          %mul3A_265 = arith.muli %scan3A_92, %mul3A_264 : i32
          %add3A_266 = arith.constant 14 : i32
          %add3A_267 = arith.addi %mul3A_265, %add3A_266 : i32
          %get3A_268 = arith.index_cast %add3A_267 : i32 to index
          %get3A_269 = arith.index_cast %mul3A_107 : i32 to index
          %get3A_270 = tpu.vector_load %arg15[%get3A_268, %get3A_269] {strides = array<i32>} : memref<128x128xbf16, #tpu.memory_space<vmem>>, vector<32xbf16>,
          %unpack3A_271 = tpu.unpack_subelements %get3A_270, 0 {pack_format = #tpu.pack_format<interleaved>} : vector<32xbf16> -> vector<16xf32>
          %unpack3A_272 = tpu.unpack_subelements %get3A_270, 1 {pack_format = #tpu.pack_format<interleaved>} : vector<32xbf16> -> vector<16xf32>
          %add3A_273 = arith.addf %add3A_262, %unpack3A_271 : vector<16xf32>
          %add3A_274 = arith.addf %add3A_263, %unpack3A_272 : vector<16xf32>
          %mul3A_275 = arith.constant 32 : i32
          %mul3A_276 = arith.muli %scan3A_92, %mul3A_275 : i32
          %add3A_277 = arith.constant 15 : i32
          %add3A_278 = arith.addi %mul3A_276, %add3A_277 : i32
          %get3A_279 = arith.index_cast %add3A_278 : i32 to index
          %get3A_280 = arith.index_cast %mul3A_107 : i32 to index
          %get3A_281 = tpu.vector_load %arg15[%get3A_279, %get3A_280] {strides = array<i32>} : memref<128x128xbf16, #tpu.memory_space<vmem>>, vector<32xbf16>,
          %unpack3A_282 = tpu.unpack_subelements %get3A_281, 0 {pack_format = #tpu.pack_format<interleaved>} : vector<32xbf16> -> vector<16xf32>
          %unpack3A_283 = tpu.unpack_subelements %get3A_281, 1 {pack_format = #tpu.pack_format<interleaved>} : vector<32xbf16> -> vector<16xf32>
          %add3A_284 = arith.addf %add3A_273, %unpack3A_282 : vector<16xf32>
          %add3A_285 = arith.addf %add3A_274, %unpack3A_283 : vector<16xf32>
          %mul3A_286 = arith.constant 32 : i32
          %mul3A_287 = arith.muli %scan3A_92, %mul3A_286 : i32
          %add3A_288 = arith.constant 16 : i32
          %add3A_289 = arith.addi %mul3A_287, %add3A_288 : i32
          %get3A_290 = arith.index_cast %add3A_289 : i32 to index
          %get3A_291 = arith.index_cast %mul3A_107 : i32 to index
          %get3A_292 = tpu.vector_load %arg15[%get3A_290, %get3A_291] {strides = array<i32>} : memref<128x128xbf16, #tpu.memory_space<vmem>>, vector<32xbf16>,
          %unpack3A_293 = tpu.unpack_subelements %get3A_292, 0 {pack_format = #tpu.pack_format<interleaved>} : vector<32xbf16> -> vector<16xf32>
          %unpack3A_294 = tpu.unpack_subelements %get3A_292, 1 {pack_format = #tpu.pack_format<interleaved>} : vector<32xbf16> -> vector<16xf32>
          %add3A_295 = arith.addf %add3A_284, %unpack3A_293 : vector<16xf32>
          %add3A_296 = arith.addf %add3A_285, %unpack3A_294 : vector<16xf32>
          %mul3A_297 = arith.constant 32 : i32
          %mul3A_298 = arith.muli %scan3A_92, %mul3A_297 : i32
          %add3A_299 = arith.constant 17 : i32
          %add3A_300 = arith.addi %mul3A_298, %add3A_299 : i32
          %get3A_301 = arith.index_cast %add3A_300 : i32 to index
          %get3A_302 = arith.index_cast %mul3A_107 : i32 to index
          %get3A_303 = tpu.vector_load %arg15[%get3A_301, %get3A_302] {strides = array<i32>} : memref<128x128xbf16, #tpu.memory_space<vmem>>, vector<32xbf16>,
          %unpack3A_304 = tpu.unpack_subelements %get3A_303, 0 {pack_format = #tpu.pack_format<interleaved>} : vector<32xbf16> -> vector<16xf32>
          %unpack3A_305 = tpu.unpack_subelements %get3A_303, 1 {pack_format = #tpu.pack_format<interleaved>} : vector<32xbf16> -> vector<16xf32>
          %add3A_306 = arith.addf %add3A_295, %unpack3A_304 : vector<16xf32>
          %add3A_307 = arith.addf %add3A_296, %unpack3A_305 : vector<16xf32>
          %mul3A_308 = arith.constant 32 : i32
          %mul3A_309 = arith.muli %scan3A_92, %mul3A_308 : i32
          %add3A_310 = arith.constant 18 : i32
          %add3A_311 = arith.addi %mul3A_309, %add3A_310 : i32
          %get3A_312 = arith.index_cast %add3A_311 : i32 to index
          %get3A_313 = arith.index_cast %mul3A_107 : i32 to index
          %get3A_314 = tpu.vector_load %arg15[%get3A_312, %get3A_313] {strides = array<i32>} : memref<128x128xbf16, #tpu.memory_space<vmem>>, vector<32xbf16>,
          %unpack3A_315 = tpu.unpack_subelements %get3A_314, 0 {pack_format = #tpu.pack_format<interleaved>} : vector<32xbf16> -> vector<16xf32>
          %unpack3A_316 = tpu.unpack_subelements %get3A_314, 1 {pack_format = #tpu.pack_format<interleaved>} : vector<32xbf16> -> vector<16xf32>
          %add3A_317 = arith.addf %add3A_306, %unpack3A_315 : vector<16xf32>
          %add3A_318 = arith.addf %add3A_307, %unpack3A_316 : vector<16xf32>
          %mul3A_319 = arith.constant 32 : i32
          %mul3A_320 = arith.muli %scan3A_92, %mul3A_319 : i32
          %add3A_321 = arith.constant 19 : i32
          %add3A_322 = arith.addi %mul3A_320, %add3A_321 : i32
          %get3A_323 = arith.index_cast %add3A_322 : i32 to index
          %get3A_324 = arith.index_cast %mul3A_107 : i32 to index
          %get3A_325 = tpu.vector_load %arg15[%get3A_323, %get3A_324] {strides = array<i32>} : memref<128x128xbf16, #tpu.memory_space<vmem>>, vector<32xbf16>,
          %unpack3A_326 = tpu.unpack_subelements %get3A_325, 0 {pack_format = #tpu.pack_format<interleaved>} : vector<32xbf16> -> vector<16xf32>
          %unpack3A_327 = tpu.unpack_subelements %get3A_325, 1 {pack_format = #tpu.pack_format<interleaved>} : vector<32xbf16> -> vector<16xf32>
          %add3A_328 = arith.addf %add3A_317, %unpack3A_326 : vector<16xf32>
          %add3A_329 = arith.addf %add3A_318, %unpack3A_327 : vector<16xf32>
          %mul3A_330 = arith.constant 32 : i32
          %mul3A_331 = arith.muli %scan3A_92, %mul3A_330 : i32
          %add3A_332 = arith.constant 20 : i32
          %add3A_333 = arith.addi %mul3A_331, %add3A_332 : i32
          %get3A_334 = arith.index_cast %add3A_333 : i32 to index
          %get3A_335 = arith.index_cast %mul3A_107 : i32 to index
          %get3A_336 = tpu.vector_load %arg15[%get3A_334, %get3A_335] {strides = array<i32>} : memref<128x128xbf16, #tpu.memory_space<vmem>>, vector<32xbf16>,
          %unpack3A_337 = tpu.unpack_subelements %get3A_336, 0 {pack_format = #tpu.pack_format<interleaved>} : vector<32xbf16> -> vector<16xf32>
          %unpack3A_338 = tpu.unpack_subelements %get3A_336, 1 {pack_format = #tpu.pack_format<interleaved>} : vector<32xbf16> -> vector<16xf32>
          %add3A_339 = arith.addf %add3A_328, %unpack3A_337 : vector<16xf32>
          %add3A_340 = arith.addf %add3A_329, %unpack3A_338 : vector<16xf32>
          %mul3A_341 = arith.constant 32 : i32
          %mul3A_342 = arith.muli %scan3A_92, %mul3A_341 : i32
          %add3A_343 = arith.constant 21 : i32
          %add3A_344 = arith.addi %mul3A_342, %add3A_343 : i32
          %get3A_345 = arith.index_cast %add3A_344 : i32 to index
          %get3A_346 = arith.index_cast %mul3A_107 : i32 to index
          %get3A_347 = tpu.vector_load %arg15[%get3A_345, %get3A_346] {strides = array<i32>} : memref<128x128xbf16, #tpu.memory_space<vmem>>, vector<32xbf16>,
          %unpack3A_348 = tpu.unpack_subelements %get3A_347, 0 {pack_format = #tpu.pack_format<interleaved>} : vector<32xbf16> -> vector<16xf32>
          %unpack3A_349 = tpu.unpack_subelements %get3A_347, 1 {pack_format = #tpu.pack_format<interleaved>} : vector<32xbf16> -> vector<16xf32>
          %add3A_350 = arith.addf %add3A_339, %unpack3A_348 : vector<16xf32>
          %add3A_351 = arith.addf %add3A_340, %unpack3A_349 : vector<16xf32>
          %mul3A_352 = arith.constant 32 : i32
          %mul3A_353 = arith.muli %scan3A_92, %mul3A_352 : i32
          %add3A_354 = arith.constant 22 : i32
          %add3A_355 = arith.addi %mul3A_353, %add3A_354 : i32
          %get3A_356 = arith.index_cast %add3A_355 : i32 to index
          %get3A_357 = arith.index_cast %mul3A_107 : i32 to index
          %get3A_358 = tpu.vector_load %arg15[%get3A_356, %get3A_357] {strides = array<i32>} : memref<128x128xbf16, #tpu.memory_space<vmem>>, vector<32xbf16>,
          %unpack3A_359 = tpu.unpack_subelements %get3A_358, 0 {pack_format = #tpu.pack_format<interleaved>} : vector<32xbf16> -> vector<16xf32>
          %unpack3A_360 = tpu.unpack_subelements %get3A_358, 1 {pack_format = #tpu.pack_format<interleaved>} : vector<32xbf16> -> vector<16xf32>
          %add3A_361 = arith.addf %add3A_350, %unpack3A_359 : vector<16xf32>
          %add3A_362 = arith.addf %add3A_351, %unpack3A_360 : vector<16xf32>
          %mul3A_363 = arith.constant 32 : i32
          %mul3A_364 = arith.muli %scan3A_92, %mul3A_363 : i32
          %add3A_365 = arith.constant 23 : i32
          %add3A_366 = arith.addi %mul3A_364, %add3A_365 : i32
          %get3A_367 = arith.index_cast %add3A_366 : i32 to index
          %get3A_368 = arith.index_cast %mul3A_107 : i32 to index
          %get3A_369 = tpu.vector_load %arg15[%get3A_367, %get3A_368] {strides = array<i32>} : memref<128x128xbf16, #tpu.memory_space<vmem>>, vector<32xbf16>,
          %unpack3A_370 = tpu.unpack_subelements %get3A_369, 0 {pack_format = #tpu.pack_format<interleaved>} : vector<32xbf16> -> vector<16xf32>
          %unpack3A_371 = tpu.unpack_subelements %get3A_369, 1 {pack_format = #tpu.pack_format<interleaved>} : vector<32xbf16> -> vector<16xf32>
          %add3A_372 = arith.addf %add3A_361, %unpack3A_370 : vector<16xf32>
          %add3A_373 = arith.addf %add3A_362, %unpack3A_371 : vector<16xf32>
          %mul3A_374 = arith.constant 32 : i32
          %mul3A_375 = arith.muli %scan3A_92, %mul3A_374 : i32
          %add3A_376 = arith.constant 24 : i32
          %add3A_377 = arith.addi %mul3A_375, %add3A_376 : i32
          %get3A_378 = arith.index_cast %add3A_377 : i32 to index
          %get3A_379 = arith.index_cast %mul3A_107 : i32 to index
          %get3A_380 = tpu.vector_load %arg15[%get3A_378, %get3A_379] {strides = array<i32>} : memref<128x128xbf16, #tpu.memory_space<vmem>>, vector<32xbf16>,
          %unpack3A_381 = tpu.unpack_subelements %get3A_380, 0 {pack_format = #tpu.pack_format<interleaved>} : vector<32xbf16> -> vector<16xf32>
          %unpack3A_382 = tpu.unpack_subelements %get3A_380, 1 {pack_format = #tpu.pack_format<interleaved>} : vector<32xbf16> -> vector<16xf32>
          %add3A_383 = arith.addf %add3A_372, %unpack3A_381 : vector<16xf32>
          %add3A_384 = arith.addf %add3A_373, %unpack3A_382 : vector<16xf32>
          %mul3A_385 = arith.constant 32 : i32
          %mul3A_386 = arith.muli %scan3A_92, %mul3A_385 : i32
          %add3A_387 = arith.constant 25 : i32
          %add3A_388 = arith.addi %mul3A_386, %add3A_387 : i32
          %get3A_389 = arith.index_cast %add3A_388 : i32 to index
          %get3A_390 = arith.index_cast %mul3A_107 : i32 to index
          %get3A_391 = tpu.vector_load %arg15[%get3A_389, %get3A_390] {strides = array<i32>} : memref<128x128xbf16, #tpu.memory_space<vmem>>, vector<32xbf16>,
          %unpack3A_392 = tpu.unpack_subelements %get3A_391, 0 {pack_format = #tpu.pack_format<interleaved>} : vector<32xbf16> -> vector<16xf32>
          %unpack3A_393 = tpu.unpack_subelements %get3A_391, 1 {pack_format = #tpu.pack_format<interleaved>} : vector<32xbf16> -> vector<16xf32>
          %add3A_394 = arith.addf %add3A_383, %unpack3A_392 : vector<16xf32>
          %add3A_395 = arith.addf %add3A_384, %unpack3A_393 : vector<16xf32>
          %mul3A_396 = arith.constant 32 : i32
          %mul3A_397 = arith.muli %scan3A_92, %mul3A_396 : i32
          %add3A_398 = arith.constant 26 : i32
          %add3A_399 = arith.addi %mul3A_397, %add3A_398 : i32
          %get3A_400 = arith.index_cast %add3A_399 : i32 to index
          %get3A_401 = arith.index_cast %mul3A_107 : i32 to index
          %get3A_402 = tpu.vector_load %arg15[%get3A_400, %get3A_401] {strides = array<i32>} : memref<128x128xbf16, #tpu.memory_space<vmem>>, vector<32xbf16>,
          %unpack3A_403 = tpu.unpack_subelements %get3A_402, 0 {pack_format = #tpu.pack_format<interleaved>} : vector<32xbf16> -> vector<16xf32>
          %unpack3A_404 = tpu.unpack_subelements %get3A_402, 1 {pack_format = #tpu.pack_format<interleaved>} : vector<32xbf16> -> vector<16xf32>
          %add3A_405 = arith.addf %add3A_394, %unpack3A_403 : vector<16xf32>
          %add3A_406 = arith.addf %add3A_395, %unpack3A_404 : vector<16xf32>
          %mul3A_407 = arith.constant 32 : i32
          %mul3A_408 = arith.muli %scan3A_92, %mul3A_407 : i32
          %add3A_409 = arith.constant 27 : i32
          %add3A_410 = arith.addi %mul3A_408, %add3A_409 : i32
          %get3A_411 = arith.index_cast %add3A_410 : i32 to index
          %get3A_412 = arith.index_cast %mul3A_107 : i32 to index
          %get3A_413 = tpu.vector_load %arg15[%get3A_411, %get3A_412] {strides = array<i32>} : memref<128x128xbf16, #tpu.memory_space<vmem>>, vector<32xbf16>,
          %unpack3A_414 = tpu.unpack_subelements %get3A_413, 0 {pack_format = #tpu.pack_format<interleaved>} : vector<32xbf16> -> vector<16xf32>
          %unpack3A_415 = tpu.unpack_subelements %get3A_413, 1 {pack_format = #tpu.pack_format<interleaved>} : vector<32xbf16> -> vector<16xf32>
          %add3A_416 = arith.addf %add3A_405, %unpack3A_414 : vector<16xf32>
          %add3A_417 = arith.addf %add3A_406, %unpack3A_415 : vector<16xf32>
          %mul3A_418 = arith.constant 32 : i32
          %mul3A_419 = arith.muli %scan3A_92, %mul3A_418 : i32
          %add3A_420 = arith.constant 28 : i32
          %add3A_421 = arith.addi %mul3A_419, %add3A_420 : i32
          %get3A_422 = arith.index_cast %add3A_421 : i32 to index
          %get3A_423 = arith.index_cast %mul3A_107 : i32 to index
          %get3A_424 = tpu.vector_load %arg15[%get3A_422, %get3A_423] {strides = array<i32>} : memref<128x128xbf16, #tpu.memory_space<vmem>>, vector<32xbf16>,
          %unpack3A_425 = tpu.unpack_subelements %get3A_424, 0 {pack_format = #tpu.pack_format<interleaved>} : vector<32xbf16> -> vector<16xf32>
          %unpack3A_426 = tpu.unpack_subelements %get3A_424, 1 {pack_format = #tpu.pack_format<interleaved>} : vector<32xbf16> -> vector<16xf32>
          %add3A_427 = arith.addf %add3A_416, %unpack3A_425 : vector<16xf32>
          %add3A_428 = arith.addf %add3A_417, %unpack3A_426 : vector<16xf32>
          %mul3A_429 = arith.constant 32 : i32
          %mul3A_430 = arith.muli %scan3A_92, %mul3A_429 : i32
          %add3A_431 = arith.constant 29 : i32
          %add3A_432 = arith.addi %mul3A_430, %add3A_431 : i32
          %get3A_433 = arith.index_cast %add3A_432 : i32 to index
          %get3A_434 = arith.index_cast %mul3A_107 : i32 to index
          %get3A_435 = tpu.vector_load %arg15[%get3A_433, %get3A_434] {strides = array<i32>} : memref<128x128xbf16, #tpu.memory_space<vmem>>, vector<32xbf16>,
          %unpack3A_436 = tpu.unpack_subelements %get3A_435, 0 {pack_format = #tpu.pack_format<interleaved>} : vector<32xbf16> -> vector<16xf32>
          %unpack3A_437 = tpu.unpack_subelements %get3A_435, 1 {pack_format = #tpu.pack_format<interleaved>} : vector<32xbf16> -> vector<16xf32>
          %add3A_438 = arith.addf %add3A_427, %unpack3A_436 : vector<16xf32>
          %add3A_439 = arith.addf %add3A_428, %unpack3A_437 : vector<16xf32>
          %mul3A_440 = arith.constant 32 : i32
          %mul3A_441 = arith.muli %scan3A_92, %mul3A_440 : i32
          %add3A_442 = arith.constant 30 : i32
          %add3A_443 = arith.addi %mul3A_441, %add3A_442 : i32
          %get3A_444 = arith.index_cast %add3A_443 : i32 to index
          %get3A_445 = arith.index_cast %mul3A_107 : i32 to index
          %get3A_446 = tpu.vector_load %arg15[%get3A_444, %get3A_445] {strides = array<i32>} : memref<128x128xbf16, #tpu.memory_space<vmem>>, vector<32xbf16>,
          %unpack3A_447 = tpu.unpack_subelements %get3A_446, 0 {pack_format = #tpu.pack_format<interleaved>} : vector<32xbf16> -> vector<16xf32>
          %unpack3A_448 = tpu.unpack_subelements %get3A_446, 1 {pack_format = #tpu.pack_format<interleaved>} : vector<32xbf16> -> vector<16xf32>
          %add3A_449 = arith.addf %add3A_438, %unpack3A_447 : vector<16xf32>
          %add3A_450 = arith.addf %add3A_439, %unpack3A_448 : vector<16xf32>
          %mul3A_451 = arith.constant 32 : i32
          %mul3A_452 = arith.muli %scan3A_92, %mul3A_451 : i32
          %add3A_453 = arith.constant 31 : i32
          %add3A_454 = arith.addi %mul3A_452, %add3A_453 : i32
          %get3A_455 = arith.index_cast %add3A_454 : i32 to index
          %get3A_456 = arith.index_cast %mul3A_107 : i32 to index
          %get3A_457 = tpu.vector_load %arg15[%get3A_455, %get3A_456] {strides = array<i32>} : memref<128x128xbf16, #tpu.memory_space<vmem>>, vector<32xbf16>,
          %unpack3A_458 = tpu.unpack_subelements %get3A_457, 0 {pack_format = #tpu.pack_format<interleaved>} : vector<32xbf16> -> vector<16xf32>
          %unpack3A_459 = tpu.unpack_subelements %get3A_457, 1 {pack_format = #tpu.pack_format<interleaved>} : vector<32xbf16> -> vector<16xf32>
          %add3A_460 = arith.addf %add3A_449, %unpack3A_458 : vector<16xf32>
          %add3A_461 = arith.addf %add3A_450, %unpack3A_459 : vector<16xf32>
          %get3A_462 = arith.index_cast %add3A_95 : i32 to index
          %get3A_463 = arith.index_cast %mul3A_107 : i32 to index
          %get3A_464 = tpu.vector_load %arg14[%get3A_462, %get3A_463] {strides = array<i32>} : memref<128x128xbf16, #tpu.memory_space<vmem>>, vector<32xbf16>,
          %unpack3A_465 = tpu.unpack_subelements %get3A_464, 0 {pack_format = #tpu.pack_format<interleaved>} : vector<32xbf16> -> vector<16xf32>
          %unpack3A_466 = tpu.unpack_subelements %get3A_464, 1 {pack_format = #tpu.pack_format<interleaved>} : vector<32xbf16> -> vector<16xf32>
          %add3A_467 = arith.constant 16 : i32
          %add3A_468 = arith.addi %mul3A_107, %add3A_467 : i32
          %mul3A_469 = arith.mulf %add3A_460, %gather3A : vector<16xf32>
          %add3A_470 = arith.addf %unpack3A_465, %mul3A_469 : vector<16xf32>
          %get3A_471 = arith.index_cast %mul3A_107 : i32 to index
          %get3A_472 = tpu.vector_load %arg18[%get3A_471] {strides = array<i32>} : memref<128xf32, #tpu.memory_space<vmem>>, vector<16xf32>,
          %add3A_473 = arith.addf %add3A_470, %get3A_472 : vector<16xf32>
          %max3A = arith.constant 0.000000e+00 : f32
          %max3A_474 = vector.broadcast %max3A : f32 to vector<16xf32>
          %max3A_475 = arith.maximumf %add3A_473, %max3A_474 : vector<16xf32>
          %swap3A = arith.index_cast %add3A_95 : i32 to index
          %swap3A_476 = arith.index_cast %mul3A_107 : i32 to index
          %swap3A_477 = tpu.vector_load %arg17[%swap3A, %swap3A_476] {strides = array<i32>} : memref<128x128xf32, #tpu.memory_space<vmem>>, vector<16xf32>,
          tpu.vector_store %arg17[%swap3A, %swap3A_476], %max3A_475 {strides = array<i32>} : memref<128x128xf32, #tpu.memory_space<vmem>>, vector<16xf32>,
          %mul3A_478 = arith.mulf %add3A_461, %gather3A : vector<16xf32>
          %add3A_479 = arith.addf %unpack3A_466, %mul3A_478 : vector<16xf32>
          %get3A_480 = arith.index_cast %add3A_468 : i32 to index
          %get3A_481 = tpu.vector_load %arg18[%get3A_480] {strides = array<i32>} : memref<128xf32, #tpu.memory_space<vmem>>, vector<16xf32>,
          %add3A_482 = arith.addf %add3A_479, %get3A_481 : vector<16xf32>
          %max3A_483 = arith.constant 0.000000e+00 : f32
          %max3A_484 = vector.broadcast %max3A_483 : f32 to vector<16xf32>
          %max3A_485 = arith.maximumf %add3A_482, %max3A_484 : vector<16xf32>
          %swap3A_486 = arith.index_cast %add3A_95 : i32 to index
          %swap3A_487 = arith.index_cast %add3A_468 : i32 to index
          %swap3A_488 = tpu.vector_load %arg17[%swap3A_486, %swap3A_487] {strides = array<i32>} : memref<128x128xf32, #tpu.memory_space<vmem>>, vector<16xf32>,
          tpu.vector_store %arg17[%swap3A_486, %swap3A_487], %max3A_485 {strides = array<i32>} : memref<128x128xf32, #tpu.memory_space<vmem>>, vector<16xf32>,
        }
        %scan3A_104 = arith.constant 4 : i32
      }
      %scan3A_75 = arith.constant 4 : i32
      %dma_wait3A_76 = arith.constant 0 : i32
      %dma_wait3A_77 = tpu.memref_slice %arg12[%add3A_63, %dma_wait3A_76] : memref<32x128xi32, #tpu.memory_space<vmem>> -> memref<1x128xi32, #tpu.memory_space<vmem>>
      %dma_wait3A_78 = tpu.memref_squeeze %dma_wait3A_77 : memref<1x128xi32, #tpu.memory_space<vmem>> -> memref<128xi32, #tpu.memory_space<vmem>>
      %dma_wait3A_79 = arith.constant 0 : i32
      %dma_wait3A_80 = arith.constant 0 : i32
      %dma_wait3A_81 = tpu.memref_slice %arg19[%dma_wait3A_79, %dma_wait3A_80] : memref<10240x128xbf16, #tpu.memory_space<vmem_shared>> -> memref<10240x128xbf16, #tpu.memory_space<vmem_shared>>
      tpu.wait_indirect_dma semaphore(%arg21 : memref<!tpu.dma_semaphore, #tpu.memory_space<semaphore_mem>>) src(%dma_wait3A_81 : memref<10240x128xbf16, #tpu.memory_space<vmem_shared>>) dst(%arg16 : memref<128x128xbf16, #tpu.memory_space<vmem>>)
      %lt3A = arith.constant 15 : i32
      %lt3A_82 = arith.cmpi slt, %scan3A_53, %lt3A : i32
      %convert_element_type3A = arith.extui %lt3A_82 : i1 to i32
      %cond3A = arith.constant 0 : i32
      %cond3A_83 = arith.cmpi ne, %convert_element_type3A, %cond3A : i32
      scf.if %cond3A_83 {
        %add3A_92 = arith.constant 2 : i32
        %add3A_93 = arith.addi %mul3A_55, %add3A_92 : i32
        %dma_start3A_94 = arith.constant 0 : i32
        %dma_start3A_95 = tpu.memref_slice %arg12[%add3A_93, %dma_start3A_94] : memref<32x128xi32, #tpu.memory_space<vmem>> -> memref<1x128xi32, #tpu.memory_space<vmem>>
        %dma_start3A_96 = tpu.memref_squeeze %dma_start3A_95 : memref<1x128xi32, #tpu.memory_space<vmem>> -> memref<128xi32, #tpu.memory_space<vmem>>
        %dma_start3A_97 = arith.constant 0 : i32
        %dma_start3A_98 = arith.constant 0 : i32
        %dma_start3A_99 = tpu.memref_slice %arg19[%dma_start3A_97, %dma_start3A_98] : memref<10240x128xbf16, #tpu.memory_space<vmem_shared>> -> memref<10240x128xbf16, #tpu.memory_space<vmem_shared>>
        tpu.enqueue_indirect_dma source(%dma_start3A_99 : memref<10240x128xbf16, #tpu.memory_space<vmem_shared>>) target(%arg15 : memref<128x128xbf16, #tpu.memory_space<vmem>>) offsets(%dma_start3A_96 : memref<128xi32, #tpu.memory_space<vmem>>) semaphore(%arg20 : memref<!tpu.dma_semaphore, #tpu.memory_space<semaphore_mem>>)
      } else {
      }
      %add3A_84 = arith.constant 1 : i32
      %add3A_85 = arith.addi %mul3A_55, %add3A_84 : i32
      %scan3A_86 = arith.constant 0 : i32
      %scan3A_87 = arith.constant 0 : i32
      %scan3A_88 = arith.constant 4 : i32
      %scan3A_89 = arith.addi %scan3A_87, %scan3A_88 : i32
      %scan3A_90 = arith.constant 1 : i32
      scf.for %scan3A_92 = %scan3A_87 to %scan3A_89 step %scan3A_90  : i32 {
        %mul3A_93 = arith.constant 4 : i32
        %mul3A_94 = arith.muli %add3A_85, %mul3A_93 : i32
        %add3A_95 = arith.addi %mul3A_94, %scan3A_92 : i32
        %broadcast_in_dim3A = arith.constant 0 : i32
        %broadcast_in_dim3A_96 = vector.broadcast %broadcast_in_dim3A : i32 to vector<16xi32>
        %add3A_97 = vector.broadcast %add3A_95 : i32 to vector<16xi32>
        %add3A_98 = arith.addi %broadcast_in_dim3A_96, %add3A_97 : vector<16xi32>
        %gather3A = tpu.vector_load_idx %arg13[%add3A_98] : memref<128xf32, #tpu.memory_space<vmem>>[vector<16xi32>], vector<16xf32>,
        %scan3A_99 = arith.constant 0 : i32
        %scan3A_100 = arith.constant 0 : i32
        %scan3A_101 = arith.constant 4 : i32
        %scan3A_102 = arith.addi %scan3A_100, %scan3A_101 : i32
        %scan3A_103 = arith.constant 1 : i32
        scf.for %scan3A_105 = %scan3A_100 to %scan3A_102 step %scan3A_103  : i32 {
          %mul3A_106 = arith.constant 32 : i32
          %mul3A_107 = arith.muli %scan3A_105, %mul3A_106 : i32
          %broadcast_in_dim3A_108 = arith.constant 0.000000e+00 : f32
          %broadcast_in_dim3A_109 = vector.broadcast %broadcast_in_dim3A_108 : f32 to vector<16xf32>
          %broadcast_in_dim3A_110 = arith.constant 0.000000e+00 : f32
          %broadcast_in_dim3A_111 = vector.broadcast %broadcast_in_dim3A_110 : f32 to vector<16xf32>
          %mul3A_112 = arith.constant 32 : i32
          %mul3A_113 = arith.muli %scan3A_92, %mul3A_112 : i32
          %add3A_114 = arith.constant 0 : i32
          %add3A_115 = arith.addi %mul3A_113, %add3A_114 : i32
          %get3A = arith.index_cast %add3A_115 : i32 to index
          %get3A_116 = arith.index_cast %mul3A_107 : i32 to index
          %get3A_117 = tpu.vector_load %arg16[%get3A, %get3A_116] {strides = array<i32>} : memref<128x128xbf16, #tpu.memory_space<vmem>>, vector<32xbf16>,
          %unpack3A = tpu.unpack_subelements %get3A_117, 0 {pack_format = #tpu.pack_format<interleaved>} : vector<32xbf16> -> vector<16xf32>
          %unpack3A_118 = tpu.unpack_subelements %get3A_117, 1 {pack_format = #tpu.pack_format<interleaved>} : vector<32xbf16> -> vector<16xf32>
          %add3A_119 = arith.addf %broadcast_in_dim3A_109, %unpack3A : vector<16xf32>
          %add3A_120 = arith.addf %broadcast_in_dim3A_111, %unpack3A_118 : vector<16xf32>
          %mul3A_121 = arith.constant 32 : i32
          %mul3A_122 = arith.muli %scan3A_92, %mul3A_121 : i32
          %add3A_123 = arith.constant 1 : i32
          %add3A_124 = arith.addi %mul3A_122, %add3A_123 : i32
          %get3A_125 = arith.index_cast %add3A_124 : i32 to index
          %get3A_126 = arith.index_cast %mul3A_107 : i32 to index
          %get3A_127 = tpu.vector_load %arg16[%get3A_125, %get3A_126] {strides = array<i32>} : memref<128x128xbf16, #tpu.memory_space<vmem>>, vector<32xbf16>,
          %unpack3A_128 = tpu.unpack_subelements %get3A_127, 0 {pack_format = #tpu.pack_format<interleaved>} : vector<32xbf16> -> vector<16xf32>
          %unpack3A_129 = tpu.unpack_subelements %get3A_127, 1 {pack_format = #tpu.pack_format<interleaved>} : vector<32xbf16> -> vector<16xf32>
          %add3A_130 = arith.addf %add3A_119, %unpack3A_128 : vector<16xf32>
          %add3A_131 = arith.addf %add3A_120, %unpack3A_129 : vector<16xf32>
          %mul3A_132 = arith.constant 32 : i32
          %mul3A_133 = arith.muli %scan3A_92, %mul3A_132 : i32
          %add3A_134 = arith.constant 2 : i32
          %add3A_135 = arith.addi %mul3A_133, %add3A_134 : i32
          %get3A_136 = arith.index_cast %add3A_135 : i32 to index
          %get3A_137 = arith.index_cast %mul3A_107 : i32 to index
          %get3A_138 = tpu.vector_load %arg16[%get3A_136, %get3A_137] {strides = array<i32>} : memref<128x128xbf16, #tpu.memory_space<vmem>>, vector<32xbf16>,
          %unpack3A_139 = tpu.unpack_subelements %get3A_138, 0 {pack_format = #tpu.pack_format<interleaved>} : vector<32xbf16> -> vector<16xf32>
          %unpack3A_140 = tpu.unpack_subelements %get3A_138, 1 {pack_format = #tpu.pack_format<interleaved>} : vector<32xbf16> -> vector<16xf32>
          %add3A_141 = arith.addf %add3A_130, %unpack3A_139 : vector<16xf32>
          %add3A_142 = arith.addf %add3A_131, %unpack3A_140 : vector<16xf32>
          %mul3A_143 = arith.constant 32 : i32
          %mul3A_144 = arith.muli %scan3A_92, %mul3A_143 : i32
          %add3A_145 = arith.constant 3 : i32
          %add3A_146 = arith.addi %mul3A_144, %add3A_145 : i32
          %get3A_147 = arith.index_cast %add3A_146 : i32 to index
          %get3A_148 = arith.index_cast %mul3A_107 : i32 to index
          %get3A_149 = tpu.vector_load %arg16[%get3A_147, %get3A_148] {strides = array<i32>} : memref<128x128xbf16, #tpu.memory_space<vmem>>, vector<32xbf16>,
          %unpack3A_150 = tpu.unpack_subelements %get3A_149, 0 {pack_format = #tpu.pack_format<interleaved>} : vector<32xbf16> -> vector<16xf32>
          %unpack3A_151 = tpu.unpack_subelements %get3A_149, 1 {pack_format = #tpu.pack_format<interleaved>} : vector<32xbf16> -> vector<16xf32>
          %add3A_152 = arith.addf %add3A_141, %unpack3A_150 : vector<16xf32>
          %add3A_153 = arith.addf %add3A_142, %unpack3A_151 : vector<16xf32>
          %mul3A_154 = arith.constant 32 : i32
          %mul3A_155 = arith.muli %scan3A_92, %mul3A_154 : i32
          %add3A_156 = arith.constant 4 : i32
          %add3A_157 = arith.addi %mul3A_155, %add3A_156 : i32
          %get3A_158 = arith.index_cast %add3A_157 : i32 to index
          %get3A_159 = arith.index_cast %mul3A_107 : i32 to index
          %get3A_160 = tpu.vector_load %arg16[%get3A_158, %get3A_159] {strides = array<i32>} : memref<128x128xbf16, #tpu.memory_space<vmem>>, vector<32xbf16>,
          %unpack3A_161 = tpu.unpack_subelements %get3A_160, 0 {pack_format = #tpu.pack_format<interleaved>} : vector<32xbf16> -> vector<16xf32>
          %unpack3A_162 = tpu.unpack_subelements %get3A_160, 1 {pack_format = #tpu.pack_format<interleaved>} : vector<32xbf16> -> vector<16xf32>
          %add3A_163 = arith.addf %add3A_152, %unpack3A_161 : vector<16xf32>
          %add3A_164 = arith.addf %add3A_153, %unpack3A_162 : vector<16xf32>
          %mul3A_165 = arith.constant 32 : i32
          %mul3A_166 = arith.muli %scan3A_92, %mul3A_165 : i32
          %add3A_167 = arith.constant 5 : i32
          %add3A_168 = arith.addi %mul3A_166, %add3A_167 : i32
          %get3A_169 = arith.index_cast %add3A_168 : i32 to index
          %get3A_170 = arith.index_cast %mul3A_107 : i32 to index
          %get3A_171 = tpu.vector_load %arg16[%get3A_169, %get3A_170] {strides = array<i32>} : memref<128x128xbf16, #tpu.memory_space<vmem>>, vector<32xbf16>,
          %unpack3A_172 = tpu.unpack_subelements %get3A_171, 0 {pack_format = #tpu.pack_format<interleaved>} : vector<32xbf16> -> vector<16xf32>
          %unpack3A_173 = tpu.unpack_subelements %get3A_171, 1 {pack_format = #tpu.pack_format<interleaved>} : vector<32xbf16> -> vector<16xf32>
          %add3A_174 = arith.addf %add3A_163, %unpack3A_172 : vector<16xf32>
          %add3A_175 = arith.addf %add3A_164, %unpack3A_173 : vector<16xf32>
          %mul3A_176 = arith.constant 32 : i32
          %mul3A_177 = arith.muli %scan3A_92, %mul3A_176 : i32
          %add3A_178 = arith.constant 6 : i32
          %add3A_179 = arith.addi %mul3A_177, %add3A_178 : i32
          %get3A_180 = arith.index_cast %add3A_179 : i32 to index
          %get3A_181 = arith.index_cast %mul3A_107 : i32 to index
          %get3A_182 = tpu.vector_load %arg16[%get3A_180, %get3A_181] {strides = array<i32>} : memref<128x128xbf16, #tpu.memory_space<vmem>>, vector<32xbf16>,
          %unpack3A_183 = tpu.unpack_subelements %get3A_182, 0 {pack_format = #tpu.pack_format<interleaved>} : vector<32xbf16> -> vector<16xf32>
          %unpack3A_184 = tpu.unpack_subelements %get3A_182, 1 {pack_format = #tpu.pack_format<interleaved>} : vector<32xbf16> -> vector<16xf32>
          %add3A_185 = arith.addf %add3A_174, %unpack3A_183 : vector<16xf32>
          %add3A_186 = arith.addf %add3A_175, %unpack3A_184 : vector<16xf32>
          %mul3A_187 = arith.constant 32 : i32
          %mul3A_188 = arith.muli %scan3A_92, %mul3A_187 : i32
          %add3A_189 = arith.constant 7 : i32
          %add3A_190 = arith.addi %mul3A_188, %add3A_189 : i32
          %get3A_191 = arith.index_cast %add3A_190 : i32 to index
          %get3A_192 = arith.index_cast %mul3A_107 : i32 to index
          %get3A_193 = tpu.vector_load %arg16[%get3A_191, %get3A_192] {strides = array<i32>} : memref<128x128xbf16, #tpu.memory_space<vmem>>, vector<32xbf16>,
          %unpack3A_194 = tpu.unpack_subelements %get3A_193, 0 {pack_format = #tpu.pack_format<interleaved>} : vector<32xbf16> -> vector<16xf32>
          %unpack3A_195 = tpu.unpack_subelements %get3A_193, 1 {pack_format = #tpu.pack_format<interleaved>} : vector<32xbf16> -> vector<16xf32>
          %add3A_196 = arith.addf %add3A_185, %unpack3A_194 : vector<16xf32>
          %add3A_197 = arith.addf %add3A_186, %unpack3A_195 : vector<16xf32>
          %mul3A_198 = arith.constant 32 : i32
          %mul3A_199 = arith.muli %scan3A_92, %mul3A_198 : i32
          %add3A_200 = arith.constant 8 : i32
          %add3A_201 = arith.addi %mul3A_199, %add3A_200 : i32
          %get3A_202 = arith.index_cast %add3A_201 : i32 to index
          %get3A_203 = arith.index_cast %mul3A_107 : i32 to index
          %get3A_204 = tpu.vector_load %arg16[%get3A_202, %get3A_203] {strides = array<i32>} : memref<128x128xbf16, #tpu.memory_space<vmem>>, vector<32xbf16>,
          %unpack3A_205 = tpu.unpack_subelements %get3A_204, 0 {pack_format = #tpu.pack_format<interleaved>} : vector<32xbf16> -> vector<16xf32>
          %unpack3A_206 = tpu.unpack_subelements %get3A_204, 1 {pack_format = #tpu.pack_format<interleaved>} : vector<32xbf16> -> vector<16xf32>
          %add3A_207 = arith.addf %add3A_196, %unpack3A_205 : vector<16xf32>
          %add3A_208 = arith.addf %add3A_197, %unpack3A_206 : vector<16xf32>
          %mul3A_209 = arith.constant 32 : i32
          %mul3A_210 = arith.muli %scan3A_92, %mul3A_209 : i32
          %add3A_211 = arith.constant 9 : i32
          %add3A_212 = arith.addi %mul3A_210, %add3A_211 : i32
          %get3A_213 = arith.index_cast %add3A_212 : i32 to index
          %get3A_214 = arith.index_cast %mul3A_107 : i32 to index
          %get3A_215 = tpu.vector_load %arg16[%get3A_213, %get3A_214] {strides = array<i32>} : memref<128x128xbf16, #tpu.memory_space<vmem>>, vector<32xbf16>,
          %unpack3A_216 = tpu.unpack_subelements %get3A_215, 0 {pack_format = #tpu.pack_format<interleaved>} : vector<32xbf16> -> vector<16xf32>
          %unpack3A_217 = tpu.unpack_subelements %get3A_215, 1 {pack_format = #tpu.pack_format<interleaved>} : vector<32xbf16> -> vector<16xf32>
          %add3A_218 = arith.addf %add3A_207, %unpack3A_216 : vector<16xf32>
          %add3A_219 = arith.addf %add3A_208, %unpack3A_217 : vector<16xf32>
          %mul3A_220 = arith.constant 32 : i32
          %mul3A_221 = arith.muli %scan3A_92, %mul3A_220 : i32
          %add3A_222 = arith.constant 10 : i32
          %add3A_223 = arith.addi %mul3A_221, %add3A_222 : i32
          %get3A_224 = arith.index_cast %add3A_223 : i32 to index
          %get3A_225 = arith.index_cast %mul3A_107 : i32 to index
          %get3A_226 = tpu.vector_load %arg16[%get3A_224, %get3A_225] {strides = array<i32>} : memref<128x128xbf16, #tpu.memory_space<vmem>>, vector<32xbf16>,
          %unpack3A_227 = tpu.unpack_subelements %get3A_226, 0 {pack_format = #tpu.pack_format<interleaved>} : vector<32xbf16> -> vector<16xf32>
          %unpack3A_228 = tpu.unpack_subelements %get3A_226, 1 {pack_format = #tpu.pack_format<interleaved>} : vector<32xbf16> -> vector<16xf32>
          %add3A_229 = arith.addf %add3A_218, %unpack3A_227 : vector<16xf32>
          %add3A_230 = arith.addf %add3A_219, %unpack3A_228 : vector<16xf32>
          %mul3A_231 = arith.constant 32 : i32
          %mul3A_232 = arith.muli %scan3A_92, %mul3A_231 : i32
          %add3A_233 = arith.constant 11 : i32
          %add3A_234 = arith.addi %mul3A_232, %add3A_233 : i32
          %get3A_235 = arith.index_cast %add3A_234 : i32 to index
          %get3A_236 = arith.index_cast %mul3A_107 : i32 to index
          %get3A_237 = tpu.vector_load %arg16[%get3A_235, %get3A_236] {strides = array<i32>} : memref<128x128xbf16, #tpu.memory_space<vmem>>, vector<32xbf16>,
          %unpack3A_238 = tpu.unpack_subelements %get3A_237, 0 {pack_format = #tpu.pack_format<interleaved>} : vector<32xbf16> -> vector<16xf32>
          %unpack3A_239 = tpu.unpack_subelements %get3A_237, 1 {pack_format = #tpu.pack_format<interleaved>} : vector<32xbf16> -> vector<16xf32>
          %add3A_240 = arith.addf %add3A_229, %unpack3A_238 : vector<16xf32>
          %add3A_241 = arith.addf %add3A_230, %unpack3A_239 : vector<16xf32>
          %mul3A_242 = arith.constant 32 : i32
          %mul3A_243 = arith.muli %scan3A_92, %mul3A_242 : i32
          %add3A_244 = arith.constant 12 : i32
          %add3A_245 = arith.addi %mul3A_243, %add3A_244 : i32
          %get3A_246 = arith.index_cast %add3A_245 : i32 to index
          %get3A_247 = arith.index_cast %mul3A_107 : i32 to index
          %get3A_248 = tpu.vector_load %arg16[%get3A_246, %get3A_247] {strides = array<i32>} : memref<128x128xbf16, #tpu.memory_space<vmem>>, vector<32xbf16>,
          %unpack3A_249 = tpu.unpack_subelements %get3A_248, 0 {pack_format = #tpu.pack_format<interleaved>} : vector<32xbf16> -> vector<16xf32>
          %unpack3A_250 = tpu.unpack_subelements %get3A_248, 1 {pack_format = #tpu.pack_format<interleaved>} : vector<32xbf16> -> vector<16xf32>
          %add3A_251 = arith.addf %add3A_240, %unpack3A_249 : vector<16xf32>
          %add3A_252 = arith.addf %add3A_241, %unpack3A_250 : vector<16xf32>
          %mul3A_253 = arith.constant 32 : i32
          %mul3A_254 = arith.muli %scan3A_92, %mul3A_253 : i32
          %add3A_255 = arith.constant 13 : i32
          %add3A_256 = arith.addi %mul3A_254, %add3A_255 : i32
          %get3A_257 = arith.index_cast %add3A_256 : i32 to index
          %get3A_258 = arith.index_cast %mul3A_107 : i32 to index
          %get3A_259 = tpu.vector_load %arg16[%get3A_257, %get3A_258] {strides = array<i32>} : memref<128x128xbf16, #tpu.memory_space<vmem>>, vector<32xbf16>,
          %unpack3A_260 = tpu.unpack_subelements %get3A_259, 0 {pack_format = #tpu.pack_format<interleaved>} : vector<32xbf16> -> vector<16xf32>
          %unpack3A_261 = tpu.unpack_subelements %get3A_259, 1 {pack_format = #tpu.pack_format<interleaved>} : vector<32xbf16> -> vector<16xf32>
          %add3A_262 = arith.addf %add3A_251, %unpack3A_260 : vector<16xf32>
          %add3A_263 = arith.addf %add3A_252, %unpack3A_261 : vector<16xf32>
          %mul3A_264 = arith.constant 32 : i32
          %mul3A_265 = arith.muli %scan3A_92, %mul3A_264 : i32
          %add3A_266 = arith.constant 14 : i32
          %add3A_267 = arith.addi %mul3A_265, %add3A_266 : i32
          %get3A_268 = arith.index_cast %add3A_267 : i32 to index
          %get3A_269 = arith.index_cast %mul3A_107 : i32 to index
          %get3A_270 = tpu.vector_load %arg16[%get3A_268, %get3A_269] {strides = array<i32>} : memref<128x128xbf16, #tpu.memory_space<vmem>>, vector<32xbf16>,
          %unpack3A_271 = tpu.unpack_subelements %get3A_270, 0 {pack_format = #tpu.pack_format<interleaved>} : vector<32xbf16> -> vector<16xf32>
          %unpack3A_272 = tpu.unpack_subelements %get3A_270, 1 {pack_format = #tpu.pack_format<interleaved>} : vector<32xbf16> -> vector<16xf32>
          %add3A_273 = arith.addf %add3A_262, %unpack3A_271 : vector<16xf32>
          %add3A_274 = arith.addf %add3A_263, %unpack3A_272 : vector<16xf32>
          %mul3A_275 = arith.constant 32 : i32
          %mul3A_276 = arith.muli %scan3A_92, %mul3A_275 : i32
          %add3A_277 = arith.constant 15 : i32
          %add3A_278 = arith.addi %mul3A_276, %add3A_277 : i32
          %get3A_279 = arith.index_cast %add3A_278 : i32 to index
          %get3A_280 = arith.index_cast %mul3A_107 : i32 to index
          %get3A_281 = tpu.vector_load %arg16[%get3A_279, %get3A_280] {strides = array<i32>} : memref<128x128xbf16, #tpu.memory_space<vmem>>, vector<32xbf16>,
          %unpack3A_282 = tpu.unpack_subelements %get3A_281, 0 {pack_format = #tpu.pack_format<interleaved>} : vector<32xbf16> -> vector<16xf32>
          %unpack3A_283 = tpu.unpack_subelements %get3A_281, 1 {pack_format = #tpu.pack_format<interleaved>} : vector<32xbf16> -> vector<16xf32>
          %add3A_284 = arith.addf %add3A_273, %unpack3A_282 : vector<16xf32>
          %add3A_285 = arith.addf %add3A_274, %unpack3A_283 : vector<16xf32>
          %mul3A_286 = arith.constant 32 : i32
          %mul3A_287 = arith.muli %scan3A_92, %mul3A_286 : i32
          %add3A_288 = arith.constant 16 : i32
          %add3A_289 = arith.addi %mul3A_287, %add3A_288 : i32
          %get3A_290 = arith.index_cast %add3A_289 : i32 to index
          %get3A_291 = arith.index_cast %mul3A_107 : i32 to index
          %get3A_292 = tpu.vector_load %arg16[%get3A_290, %get3A_291] {strides = array<i32>} : memref<128x128xbf16, #tpu.memory_space<vmem>>, vector<32xbf16>,
          %unpack3A_293 = tpu.unpack_subelements %get3A_292, 0 {pack_format = #tpu.pack_format<interleaved>} : vector<32xbf16> -> vector<16xf32>
          %unpack3A_294 = tpu.unpack_subelements %get3A_292, 1 {pack_format = #tpu.pack_format<interleaved>} : vector<32xbf16> -> vector<16xf32>
          %add3A_295 = arith.addf %add3A_284, %unpack3A_293 : vector<16xf32>
          %add3A_296 = arith.addf %add3A_285, %unpack3A_294 : vector<16xf32>
          %mul3A_297 = arith.constant 32 : i32
          %mul3A_298 = arith.muli %scan3A_92, %mul3A_297 : i32
          %add3A_299 = arith.constant 17 : i32
          %add3A_300 = arith.addi %mul3A_298, %add3A_299 : i32
          %get3A_301 = arith.index_cast %add3A_300 : i32 to index
          %get3A_302 = arith.index_cast %mul3A_107 : i32 to index
          %get3A_303 = tpu.vector_load %arg16[%get3A_301, %get3A_302] {strides = array<i32>} : memref<128x128xbf16, #tpu.memory_space<vmem>>, vector<32xbf16>,
          %unpack3A_304 = tpu.unpack_subelements %get3A_303, 0 {pack_format = #tpu.pack_format<interleaved>} : vector<32xbf16> -> vector<16xf32>
          %unpack3A_305 = tpu.unpack_subelements %get3A_303, 1 {pack_format = #tpu.pack_format<interleaved>} : vector<32xbf16> -> vector<16xf32>
          %add3A_306 = arith.addf %add3A_295, %unpack3A_304 : vector<16xf32>
          %add3A_307 = arith.addf %add3A_296, %unpack3A_305 : vector<16xf32>
          %mul3A_308 = arith.constant 32 : i32
          %mul3A_309 = arith.muli %scan3A_92, %mul3A_308 : i32
          %add3A_310 = arith.constant 18 : i32
          %add3A_311 = arith.addi %mul3A_309, %add3A_310 : i32
          %get3A_312 = arith.index_cast %add3A_311 : i32 to index
          %get3A_313 = arith.index_cast %mul3A_107 : i32 to index
          %get3A_314 = tpu.vector_load %arg16[%get3A_312, %get3A_313] {strides = array<i32>} : memref<128x128xbf16, #tpu.memory_space<vmem>>, vector<32xbf16>,
          %unpack3A_315 = tpu.unpack_subelements %get3A_314, 0 {pack_format = #tpu.pack_format<interleaved>} : vector<32xbf16> -> vector<16xf32>
          %unpack3A_316 = tpu.unpack_subelements %get3A_314, 1 {pack_format = #tpu.pack_format<interleaved>} : vector<32xbf16> -> vector<16xf32>
          %add3A_317 = arith.addf %add3A_306, %unpack3A_315 : vector<16xf32>
          %add3A_318 = arith.addf %add3A_307, %unpack3A_316 : vector<16xf32>
          %mul3A_319 = arith.constant 32 : i32
          %mul3A_320 = arith.muli %scan3A_92, %mul3A_319 : i32
          %add3A_321 = arith.constant 19 : i32
          %add3A_322 = arith.addi %mul3A_320, %add3A_321 : i32
          %get3A_323 = arith.index_cast %add3A_322 : i32 to index
          %get3A_324 = arith.index_cast %mul3A_107 : i32 to index
          %get3A_325 = tpu.vector_load %arg16[%get3A_323, %get3A_324] {strides = array<i32>} : memref<128x128xbf16, #tpu.memory_space<vmem>>, vector<32xbf16>,
          %unpack3A_326 = tpu.unpack_subelements %get3A_325, 0 {pack_format = #tpu.pack_format<interleaved>} : vector<32xbf16> -> vector<16xf32>
          %unpack3A_327 = tpu.unpack_subelements %get3A_325, 1 {pack_format = #tpu.pack_format<interleaved>} : vector<32xbf16> -> vector<16xf32>
          %add3A_328 = arith.addf %add3A_317, %unpack3A_326 : vector<16xf32>
          %add3A_329 = arith.addf %add3A_318, %unpack3A_327 : vector<16xf32>
          %mul3A_330 = arith.constant 32 : i32
          %mul3A_331 = arith.muli %scan3A_92, %mul3A_330 : i32
          %add3A_332 = arith.constant 20 : i32
          %add3A_333 = arith.addi %mul3A_331, %add3A_332 : i32
          %get3A_334 = arith.index_cast %add3A_333 : i32 to index
          %get3A_335 = arith.index_cast %mul3A_107 : i32 to index
          %get3A_336 = tpu.vector_load %arg16[%get3A_334, %get3A_335] {strides = array<i32>} : memref<128x128xbf16, #tpu.memory_space<vmem>>, vector<32xbf16>,
          %unpack3A_337 = tpu.unpack_subelements %get3A_336, 0 {pack_format = #tpu.pack_format<interleaved>} : vector<32xbf16> -> vector<16xf32>
          %unpack3A_338 = tpu.unpack_subelements %get3A_336, 1 {pack_format = #tpu.pack_format<interleaved>} : vector<32xbf16> -> vector<16xf32>
          %add3A_339 = arith.addf %add3A_328, %unpack3A_337 : vector<16xf32>
          %add3A_340 = arith.addf %add3A_329, %unpack3A_338 : vector<16xf32>
          %mul3A_341 = arith.constant 32 : i32
          %mul3A_342 = arith.muli %scan3A_92, %mul3A_341 : i32
          %add3A_343 = arith.constant 21 : i32
          %add3A_344 = arith.addi %mul3A_342, %add3A_343 : i32
          %get3A_345 = arith.index_cast %add3A_344 : i32 to index
          %get3A_346 = arith.index_cast %mul3A_107 : i32 to index
          %get3A_347 = tpu.vector_load %arg16[%get3A_345, %get3A_346] {strides = array<i32>} : memref<128x128xbf16, #tpu.memory_space<vmem>>, vector<32xbf16>,
          %unpack3A_348 = tpu.unpack_subelements %get3A_347, 0 {pack_format = #tpu.pack_format<interleaved>} : vector<32xbf16> -> vector<16xf32>
          %unpack3A_349 = tpu.unpack_subelements %get3A_347, 1 {pack_format = #tpu.pack_format<interleaved>} : vector<32xbf16> -> vector<16xf32>
          %add3A_350 = arith.addf %add3A_339, %unpack3A_348 : vector<16xf32>
          %add3A_351 = arith.addf %add3A_340, %unpack3A_349 : vector<16xf32>
          %mul3A_352 = arith.constant 32 : i32
          %mul3A_353 = arith.muli %scan3A_92, %mul3A_352 : i32
          %add3A_354 = arith.constant 22 : i32
          %add3A_355 = arith.addi %mul3A_353, %add3A_354 : i32
          %get3A_356 = arith.index_cast %add3A_355 : i32 to index
          %get3A_357 = arith.index_cast %mul3A_107 : i32 to index
          %get3A_358 = tpu.vector_load %arg16[%get3A_356, %get3A_357] {strides = array<i32>} : memref<128x128xbf16, #tpu.memory_space<vmem>>, vector<32xbf16>,
          %unpack3A_359 = tpu.unpack_subelements %get3A_358, 0 {pack_format = #tpu.pack_format<interleaved>} : vector<32xbf16> -> vector<16xf32>
          %unpack3A_360 = tpu.unpack_subelements %get3A_358, 1 {pack_format = #tpu.pack_format<interleaved>} : vector<32xbf16> -> vector<16xf32>
          %add3A_361 = arith.addf %add3A_350, %unpack3A_359 : vector<16xf32>
          %add3A_362 = arith.addf %add3A_351, %unpack3A_360 : vector<16xf32>
          %mul3A_363 = arith.constant 32 : i32
          %mul3A_364 = arith.muli %scan3A_92, %mul3A_363 : i32
          %add3A_365 = arith.constant 23 : i32
          %add3A_366 = arith.addi %mul3A_364, %add3A_365 : i32
          %get3A_367 = arith.index_cast %add3A_366 : i32 to index
          %get3A_368 = arith.index_cast %mul3A_107 : i32 to index
          %get3A_369 = tpu.vector_load %arg16[%get3A_367, %get3A_368] {strides = array<i32>} : memref<128x128xbf16, #tpu.memory_space<vmem>>, vector<32xbf16>,
          %unpack3A_370 = tpu.unpack_subelements %get3A_369, 0 {pack_format = #tpu.pack_format<interleaved>} : vector<32xbf16> -> vector<16xf32>
          %unpack3A_371 = tpu.unpack_subelements %get3A_369, 1 {pack_format = #tpu.pack_format<interleaved>} : vector<32xbf16> -> vector<16xf32>
          %add3A_372 = arith.addf %add3A_361, %unpack3A_370 : vector<16xf32>
          %add3A_373 = arith.addf %add3A_362, %unpack3A_371 : vector<16xf32>
          %mul3A_374 = arith.constant 32 : i32
          %mul3A_375 = arith.muli %scan3A_92, %mul3A_374 : i32
          %add3A_376 = arith.constant 24 : i32
          %add3A_377 = arith.addi %mul3A_375, %add3A_376 : i32
          %get3A_378 = arith.index_cast %add3A_377 : i32 to index
          %get3A_379 = arith.index_cast %mul3A_107 : i32 to index
          %get3A_380 = tpu.vector_load %arg16[%get3A_378, %get3A_379] {strides = array<i32>} : memref<128x128xbf16, #tpu.memory_space<vmem>>, vector<32xbf16>,
          %unpack3A_381 = tpu.unpack_subelements %get3A_380, 0 {pack_format = #tpu.pack_format<interleaved>} : vector<32xbf16> -> vector<16xf32>
          %unpack3A_382 = tpu.unpack_subelements %get3A_380, 1 {pack_format = #tpu.pack_format<interleaved>} : vector<32xbf16> -> vector<16xf32>
          %add3A_383 = arith.addf %add3A_372, %unpack3A_381 : vector<16xf32>
          %add3A_384 = arith.addf %add3A_373, %unpack3A_382 : vector<16xf32>
          %mul3A_385 = arith.constant 32 : i32
          %mul3A_386 = arith.muli %scan3A_92, %mul3A_385 : i32
          %add3A_387 = arith.constant 25 : i32
          %add3A_388 = arith.addi %mul3A_386, %add3A_387 : i32
          %get3A_389 = arith.index_cast %add3A_388 : i32 to index
          %get3A_390 = arith.index_cast %mul3A_107 : i32 to index
          %get3A_391 = tpu.vector_load %arg16[%get3A_389, %get3A_390] {strides = array<i32>} : memref<128x128xbf16, #tpu.memory_space<vmem>>, vector<32xbf16>,
          %unpack3A_392 = tpu.unpack_subelements %get3A_391, 0 {pack_format = #tpu.pack_format<interleaved>} : vector<32xbf16> -> vector<16xf32>
          %unpack3A_393 = tpu.unpack_subelements %get3A_391, 1 {pack_format = #tpu.pack_format<interleaved>} : vector<32xbf16> -> vector<16xf32>
          %add3A_394 = arith.addf %add3A_383, %unpack3A_392 : vector<16xf32>
          %add3A_395 = arith.addf %add3A_384, %unpack3A_393 : vector<16xf32>
          %mul3A_396 = arith.constant 32 : i32
          %mul3A_397 = arith.muli %scan3A_92, %mul3A_396 : i32
          %add3A_398 = arith.constant 26 : i32
          %add3A_399 = arith.addi %mul3A_397, %add3A_398 : i32
          %get3A_400 = arith.index_cast %add3A_399 : i32 to index
          %get3A_401 = arith.index_cast %mul3A_107 : i32 to index
          %get3A_402 = tpu.vector_load %arg16[%get3A_400, %get3A_401] {strides = array<i32>} : memref<128x128xbf16, #tpu.memory_space<vmem>>, vector<32xbf16>,
          %unpack3A_403 = tpu.unpack_subelements %get3A_402, 0 {pack_format = #tpu.pack_format<interleaved>} : vector<32xbf16> -> vector<16xf32>
          %unpack3A_404 = tpu.unpack_subelements %get3A_402, 1 {pack_format = #tpu.pack_format<interleaved>} : vector<32xbf16> -> vector<16xf32>
          %add3A_405 = arith.addf %add3A_394, %unpack3A_403 : vector<16xf32>
          %add3A_406 = arith.addf %add3A_395, %unpack3A_404 : vector<16xf32>
          %mul3A_407 = arith.constant 32 : i32
          %mul3A_408 = arith.muli %scan3A_92, %mul3A_407 : i32
          %add3A_409 = arith.constant 27 : i32
          %add3A_410 = arith.addi %mul3A_408, %add3A_409 : i32
          %get3A_411 = arith.index_cast %add3A_410 : i32 to index
          %get3A_412 = arith.index_cast %mul3A_107 : i32 to index
          %get3A_413 = tpu.vector_load %arg16[%get3A_411, %get3A_412] {strides = array<i32>} : memref<128x128xbf16, #tpu.memory_space<vmem>>, vector<32xbf16>,
          %unpack3A_414 = tpu.unpack_subelements %get3A_413, 0 {pack_format = #tpu.pack_format<interleaved>} : vector<32xbf16> -> vector<16xf32>
          %unpack3A_415 = tpu.unpack_subelements %get3A_413, 1 {pack_format = #tpu.pack_format<interleaved>} : vector<32xbf16> -> vector<16xf32>
          %add3A_416 = arith.addf %add3A_405, %unpack3A_414 : vector<16xf32>
          %add3A_417 = arith.addf %add3A_406, %unpack3A_415 : vector<16xf32>
          %mul3A_418 = arith.constant 32 : i32
          %mul3A_419 = arith.muli %scan3A_92, %mul3A_418 : i32
          %add3A_420 = arith.constant 28 : i32
          %add3A_421 = arith.addi %mul3A_419, %add3A_420 : i32
          %get3A_422 = arith.index_cast %add3A_421 : i32 to index
          %get3A_423 = arith.index_cast %mul3A_107 : i32 to index
          %get3A_424 = tpu.vector_load %arg16[%get3A_422, %get3A_423] {strides = array<i32>} : memref<128x128xbf16, #tpu.memory_space<vmem>>, vector<32xbf16>,
          %unpack3A_425 = tpu.unpack_subelements %get3A_424, 0 {pack_format = #tpu.pack_format<interleaved>} : vector<32xbf16> -> vector<16xf32>
          %unpack3A_426 = tpu.unpack_subelements %get3A_424, 1 {pack_format = #tpu.pack_format<interleaved>} : vector<32xbf16> -> vector<16xf32>
          %add3A_427 = arith.addf %add3A_416, %unpack3A_425 : vector<16xf32>
          %add3A_428 = arith.addf %add3A_417, %unpack3A_426 : vector<16xf32>
          %mul3A_429 = arith.constant 32 : i32
          %mul3A_430 = arith.muli %scan3A_92, %mul3A_429 : i32
          %add3A_431 = arith.constant 29 : i32
          %add3A_432 = arith.addi %mul3A_430, %add3A_431 : i32
          %get3A_433 = arith.index_cast %add3A_432 : i32 to index
          %get3A_434 = arith.index_cast %mul3A_107 : i32 to index
          %get3A_435 = tpu.vector_load %arg16[%get3A_433, %get3A_434] {strides = array<i32>} : memref<128x128xbf16, #tpu.memory_space<vmem>>, vector<32xbf16>,
          %unpack3A_436 = tpu.unpack_subelements %get3A_435, 0 {pack_format = #tpu.pack_format<interleaved>} : vector<32xbf16> -> vector<16xf32>
          %unpack3A_437 = tpu.unpack_subelements %get3A_435, 1 {pack_format = #tpu.pack_format<interleaved>} : vector<32xbf16> -> vector<16xf32>
          %add3A_438 = arith.addf %add3A_427, %unpack3A_436 : vector<16xf32>
          %add3A_439 = arith.addf %add3A_428, %unpack3A_437 : vector<16xf32>
          %mul3A_440 = arith.constant 32 : i32
          %mul3A_441 = arith.muli %scan3A_92, %mul3A_440 : i32
          %add3A_442 = arith.constant 30 : i32
          %add3A_443 = arith.addi %mul3A_441, %add3A_442 : i32
          %get3A_444 = arith.index_cast %add3A_443 : i32 to index
          %get3A_445 = arith.index_cast %mul3A_107 : i32 to index
          %get3A_446 = tpu.vector_load %arg16[%get3A_444, %get3A_445] {strides = array<i32>} : memref<128x128xbf16, #tpu.memory_space<vmem>>, vector<32xbf16>,
          %unpack3A_447 = tpu.unpack_subelements %get3A_446, 0 {pack_format = #tpu.pack_format<interleaved>} : vector<32xbf16> -> vector<16xf32>
          %unpack3A_448 = tpu.unpack_subelements %get3A_446, 1 {pack_format = #tpu.pack_format<interleaved>} : vector<32xbf16> -> vector<16xf32>
          %add3A_449 = arith.addf %add3A_438, %unpack3A_447 : vector<16xf32>
          %add3A_450 = arith.addf %add3A_439, %unpack3A_448 : vector<16xf32>
          %mul3A_451 = arith.constant 32 : i32
          %mul3A_452 = arith.muli %scan3A_92, %mul3A_451 : i32
          %add3A_453 = arith.constant 31 : i32
          %add3A_454 = arith.addi %mul3A_452, %add3A_453 : i32
          %get3A_455 = arith.index_cast %add3A_454 : i32 to index
          %get3A_456 = arith.index_cast %mul3A_107 : i32 to index
          %get3A_457 = tpu.vector_load %arg16[%get3A_455, %get3A_456] {strides = array<i32>} : memref<128x128xbf16, #tpu.memory_space<vmem>>, vector<32xbf16>,
          %unpack3A_458 = tpu.unpack_subelements %get3A_457, 0 {pack_format = #tpu.pack_format<interleaved>} : vector<32xbf16> -> vector<16xf32>
          %unpack3A_459 = tpu.unpack_subelements %get3A_457, 1 {pack_format = #tpu.pack_format<interleaved>} : vector<32xbf16> -> vector<16xf32>
          %add3A_460 = arith.addf %add3A_449, %unpack3A_458 : vector<16xf32>
          %add3A_461 = arith.addf %add3A_450, %unpack3A_459 : vector<16xf32>
          %get3A_462 = arith.index_cast %add3A_95 : i32 to index
          %get3A_463 = arith.index_cast %mul3A_107 : i32 to index
          %get3A_464 = tpu.vector_load %arg14[%get3A_462, %get3A_463] {strides = array<i32>} : memref<128x128xbf16, #tpu.memory_space<vmem>>, vector<32xbf16>,
          %unpack3A_465 = tpu.unpack_subelements %get3A_464, 0 {pack_format = #tpu.pack_format<interleaved>} : vector<32xbf16> -> vector<16xf32>
          %unpack3A_466 = tpu.unpack_subelements %get3A_464, 1 {pack_format = #tpu.pack_format<interleaved>} : vector<32xbf16> -> vector<16xf32>
          %add3A_467 = arith.constant 16 : i32
          %add3A_468 = arith.addi %mul3A_107, %add3A_467 : i32
          %mul3A_469 = arith.mulf %add3A_460, %gather3A : vector<16xf32>
          %add3A_470 = arith.addf %unpack3A_465, %mul3A_469 : vector<16xf32>
          %get3A_471 = arith.index_cast %mul3A_107 : i32 to index
          %get3A_472 = tpu.vector_load %arg18[%get3A_471] {strides = array<i32>} : memref<128xf32, #tpu.memory_space<vmem>>, vector<16xf32>,
          %add3A_473 = arith.addf %add3A_470, %get3A_472 : vector<16xf32>
          %max3A = arith.constant 0.000000e+00 : f32
          %max3A_474 = vector.broadcast %max3A : f32 to vector<16xf32>
          %max3A_475 = arith.maximumf %add3A_473, %max3A_474 : vector<16xf32>
          %swap3A = arith.index_cast %add3A_95 : i32 to index
          %swap3A_476 = arith.index_cast %mul3A_107 : i32 to index
          %swap3A_477 = tpu.vector_load %arg17[%swap3A, %swap3A_476] {strides = array<i32>} : memref<128x128xf32, #tpu.memory_space<vmem>>, vector<16xf32>,
          tpu.vector_store %arg17[%swap3A, %swap3A_476], %max3A_475 {strides = array<i32>} : memref<128x128xf32, #tpu.memory_space<vmem>>, vector<16xf32>,
          %mul3A_478 = arith.mulf %add3A_461, %gather3A : vector<16xf32>
          %add3A_479 = arith.addf %unpack3A_466, %mul3A_478 : vector<16xf32>
          %get3A_480 = arith.index_cast %add3A_468 : i32 to index
          %get3A_481 = tpu.vector_load %arg18[%get3A_480] {strides = array<i32>} : memref<128xf32, #tpu.memory_space<vmem>>, vector<16xf32>,
          %add3A_482 = arith.addf %add3A_479, %get3A_481 : vector<16xf32>
          %max3A_483 = arith.constant 0.000000e+00 : f32
          %max3A_484 = vector.broadcast %max3A_483 : f32 to vector<16xf32>
          %max3A_485 = arith.maximumf %add3A_482, %max3A_484 : vector<16xf32>
          %swap3A_486 = arith.index_cast %add3A_95 : i32 to index
          %swap3A_487 = arith.index_cast %add3A_468 : i32 to index
          %swap3A_488 = tpu.vector_load %arg17[%swap3A_486, %swap3A_487] {strides = array<i32>} : memref<128x128xf32, #tpu.memory_space<vmem>>, vector<16xf32>,
          tpu.vector_store %arg17[%swap3A_486, %swap3A_487], %max3A_485 {strides = array<i32>} : memref<128x128xf32, #tpu.memory_space<vmem>>, vector<16xf32>,
        }
        %scan3A_104 = arith.constant 4 : i32
      }
      %scan3A_91 = arith.constant 4 : i32
    }
    %scan3A_52 = arith.constant 16 : i32
    "tpu.region"() ({
      %run_scoped3A = tpu.sem_alloc : memref<!tpu.dma_semaphore, #tpu.memory_space<semaphore_mem>>
      %dma_start3A_53 = arith.constant 0 : i32
      %dma_start3A_54 = tpu.memref_slice %arg8[%mul3A_2, %dma_start3A_53] : memref<4096x128xf32, #tpu.memory_space<hbm>> -> memref<128x128xf32, #tpu.memory_space<hbm>>
      %dma_start3A_55 = arith.constant 0 : i32
      %dma_start3A_56 = tpu.memref_slice %arg8[%mul3A_2, %dma_start3A_55] : memref<4096x128xf32, #tpu.memory_space<hbm>> -> memref<128x128xf32, #tpu.memory_space<hbm>>
      tpu.enqueue_dma source(%arg17 : memref<128x128xf32, #tpu.memory_space<vmem>>) target(%dma_start3A_56 : memref<128x128xf32, #tpu.memory_space<hbm>>) target_semaphore(%run_scoped3A : memref<!tpu.dma_semaphore, #tpu.memory_space<semaphore_mem>>)
      %dma_wait3A_57 = arith.constant 0 : i32
      %dma_wait3A_58 = tpu.memref_slice %arg8[%mul3A_2, %dma_wait3A_57] : memref<4096x128xf32, #tpu.memory_space<hbm>> -> memref<128x128xf32, #tpu.memory_space<hbm>>
      %dma_wait3A_59 = arith.constant 0 : i32
      %dma_wait3A_60 = tpu.memref_slice %arg8[%mul3A_2, %dma_wait3A_59] : memref<4096x128xf32, #tpu.memory_space<hbm>> -> memref<128x128xf32, #tpu.memory_space<hbm>>
      tpu.wait_dma2 semaphore(%run_scoped3A : memref<!tpu.dma_semaphore, #tpu.memory_space<semaphore_mem>>) src(%arg17 : memref<128x128xf32, #tpu.memory_space<vmem>>) dst(%dma_wait3A_60 : memref<128x128xf32, #tpu.memory_space<hbm>>)
      tpu.yield
    }) : () -> ()
    return
  }
}

module attributes {stable_mosaic.version = 14 : i64} {
  func.func @_project_body(%arg0: i32, %arg1: memref<1024x128xf32, #tpu.memory_space<vmem>>, %arg2: memref<128x128xf32, #tpu.memory_space<vmem>>, %arg3: memref<128x128xf32, #tpu.memory_space<vmem>>, %arg4: memref<1024x128xbf16, #tpu.memory_space<vmem>>, %arg5: memref<1024x128xbf16, #tpu.memory_space<vmem>>) attributes {dimension_semantics = [#tpu.dimension_semantics<arbitrary>], iteration_bounds = array<i64: 10>, scalar_prefetch = 0 : i64, scratch_operands = 0 : i64, tpu.core_type = #tpu.core_type<tc>, window_params = [{transform_indices = @transform_0, window_bounds = array<i64: 1024, 128>}, {pipeline_mode = #tpu.pipeline_mode<synchronous>, transform_indices = @transform_1, window_bounds = array<i64: 128, 128>}, {pipeline_mode = #tpu.pipeline_mode<synchronous>, transform_indices = @transform_2, window_bounds = array<i64: 128, 128>}, {transform_indices = @transform_3, window_bounds = array<i64: 1024, 128>}, {transform_indices = @transform_4, window_bounds = array<i64: 1024, 128>}]} {
    %mul3A = arith.constant 1024 : i32
    %mul3A_0 = arith.muli %arg0, %mul3A : i32
    %iota3A = tpu.iota {dimensions = array<i32: 0>} : vector<1024x1xi32>
    %add3A = vector.broadcast %mul3A_0 : i32 to vector<1024x1xi32>
    %add3A_1 = arith.addi %add3A, %iota3A : vector<1024x1xi32>
    %lt3A = arith.constant 10000 : i32
    %lt3A_2 = vector.broadcast %lt3A : i32 to vector<1024x1xi32>
    %lt3A_3 = arith.cmpi slt, %add3A_1, %lt3A_2 : vector<1024x1xi32>
    %get3A = arith.constant 0 : index
    %get3A_4 = arith.constant 0 : index
    %get3A_5 = vector.load %arg1[%get3A, %get3A_4] : memref<1024x128xf32, #tpu.memory_space<vmem>>, vector<1024x128xf32>
    %jit3A = arith.constant 0.000000e+00 : f32
    %broadcast_in_dim3A = vector.shape_cast %lt3A_3 : vector<1024x1xi1> to vector<1024x1xi1>
    %broadcast_in_dim3A_6 = vector.broadcast %broadcast_in_dim3A : vector<1024x1xi1> to vector<1024x128xi1>
    %broadcast_in_dim3A_7 = vector.broadcast %jit3A : f32 to vector<1024x128xf32>
    %select_n3A = arith.select %broadcast_in_dim3A_6, %get3A_5, %broadcast_in_dim3A_7 : vector<1024x128xi1>, vector<1024x128xf32>
    %get3A_8 = arith.constant 0 : index
    %get3A_9 = arith.constant 0 : index
    %get3A_10 = vector.load %arg2[%get3A_8, %get3A_9] : memref<128x128xf32, #tpu.memory_space<vmem>>, vector<128x128xf32>
    %dot_general3A = arith.constant dense<0.000000e+00> : vector<1024x128xf32>
    %dot_general3A_11 = tpu.matmul %select_n3A, %get3A_10, %dot_general3A {dimension_numbers = #tpu.dot_dimension_numbers<[1], [1], [0], [0], [0, 0, 1, 0], [], []>, transpose_lhs_hint = false} : vector<1024x128xf32>, vector<128x128xf32>, vector<1024x128xf32> -> vector<1024x128xf32>
    %convert_element_type3A = arith.truncf %dot_general3A_11 : vector<1024x128xf32> to vector<1024x128xbf16>
    %swap3A = arith.constant 0 : index
    %swap3A_12 = arith.constant 0 : index
    %swap3A_13 = vector.load %arg4[%swap3A, %swap3A_12] : memref<1024x128xbf16, #tpu.memory_space<vmem>>, vector<1024x128xbf16>
    tpu.vector_store %arg4[%swap3A, %swap3A_12], %convert_element_type3A {strides = array<i32>} : memref<1024x128xbf16, #tpu.memory_space<vmem>>, vector<1024x128xbf16>,
    %get3A_14 = arith.constant 0 : index
    %get3A_15 = arith.constant 0 : index
    %get3A_16 = vector.load %arg3[%get3A_14, %get3A_15] : memref<128x128xf32, #tpu.memory_space<vmem>>, vector<128x128xf32>
    %dot_general3A_17 = arith.constant dense<0.000000e+00> : vector<1024x128xf32>
    %dot_general3A_18 = tpu.matmul %select_n3A, %get3A_16, %dot_general3A_17 {dimension_numbers = #tpu.dot_dimension_numbers<[1], [1], [0], [0], [0, 0, 1, 0], [], []>, transpose_lhs_hint = false} : vector<1024x128xf32>, vector<128x128xf32>, vector<1024x128xf32> -> vector<1024x128xf32>
    %convert_element_type3A_19 = arith.truncf %dot_general3A_18 : vector<1024x128xf32> to vector<1024x128xbf16>
    %swap3A_20 = arith.constant 0 : index
    %swap3A_21 = arith.constant 0 : index
    %swap3A_22 = vector.load %arg5[%swap3A_20, %swap3A_21] : memref<1024x128xbf16, #tpu.memory_space<vmem>>, vector<1024x128xbf16>
    tpu.vector_store %arg5[%swap3A_20, %swap3A_21], %convert_element_type3A_19 {strides = array<i32>} : memref<1024x128xbf16, #tpu.memory_space<vmem>>, vector<1024x128xbf16>,
    return
  }
  func.func @transform_0(%arg0: i32) -> (i32, i32) {
    %c0_i32 = arith.constant 0 : i32
    %c0_i32_0 = arith.constant 0 : i32
    return %arg0, %c0_i32 : i32, i32
  }
  func.func @transform_1(%arg0: i32) -> (i32, i32) {
    %c0_i32 = arith.constant 0 : i32
    %c0_i32_0 = arith.constant 0 : i32
    %c0_i32_1 = arith.constant 0 : i32
    return %c0_i32, %c0_i32_0 : i32, i32
  }
  func.func @transform_2(%arg0: i32) -> (i32, i32) {
    %c0_i32 = arith.constant 0 : i32
    %c0_i32_0 = arith.constant 0 : i32
    %c0_i32_1 = arith.constant 0 : i32
    return %c0_i32, %c0_i32_0 : i32, i32
  }
  func.func @transform_3(%arg0: i32) -> (i32, i32) {
    %c0_i32 = arith.constant 0 : i32
    %c0_i32_0 = arith.constant 0 : i32
    return %arg0, %c0_i32 : i32, i32
  }
  func.func @transform_4(%arg0: i32) -> (i32, i32) {
    %c0_i32 = arith.constant 0 : i32
    %c0_i32_0 = arith.constant 0 : i32
    return %arg0, %c0_i32 : i32, i32
  }
}

</mosaic_0001>

<sc_bundles>
// kernel: kernel.4.cloned.1.call-start
scs
__scs_entry_jumppad:
0x0: {  	(pc) =	sbr.rel $0x88, $3  }
0x1: {  	(tag) =	ssettag $0x0;
	lr =	simm.s32 $0x1  }
0x2: {  	[smem:$0x3F9B] =	sst lr;
	_ =	strace $0xD0000000  }
0x3: {  	_ = 	snop  }
0x4: {  	_ = 	snop  }
0x5: {  	_ = 	snop  }
0x6: {  	_ = 	snop  }
0x7: {  	_ = 	snop  }
__scs_overlays_trampoline_lowered:
0x8: {  	[smem:$0x3FAA] =	sst s0  }
0x9: {  	[smem:$0x3FAB] =	sst s1  }
0xa: {  	[smem:$0x3FAC] =	sst s2  }
0xb: {  	[smem:$0x3FAD] =	sst s3  }
0xc: {  	[smem:$0x3FAE] =	sst s4  }
0xd: {  	[smem:$0x3FAF] =	sst s5  }
0xe: {  	[smem:$0x3FB0] =	sst s6  }
0xf: {  	[smem:$0x3FB1] =	sst s7  }
0x10: {  	[smem:$0x3FB2] =	sst s8  }
0x11: {  	[smem:$0x3FB3] =	sst s9;
	s0 =	simm.s32 @!p0 $0x0  }
0x12: {  	s1 =	sld [smem:$0x3F99];
	s0 =	simm.s32 @p0 $0x1  }
0x13: {  	[smem:$0x3FB4] =	sst s0;
	s0 =	simm.s32 @!p1 $0x0  }
0x14: {  	s2 =	sld [smem:$0x3F98];
	s0 =	simm.s32 @p1 $0x1  }
0x15: {  	[smem:$0x3FB5] =	sst s0;
	s0 =	simm.s32 @!p2 $0x0  }
0x16: {  	s3 =	sld [smem:$0x3FDB];
	s0 =	simm.s32 @p2 $0x1  }
0x17: {  	s4 =	simm.s32 $0x1BF5;
	[smem:$0x3FB7] =	sst s0  }
0x18: {  	s0 =	sld [smem:$0x3F9A];
	_ =	swait.ge [sflag:s4], $0x0  }
0x19: {  	s7 =	sld [smem:$0x3F9B]  }
0x1a: {  	s8 =	sadd.s32 $0xFFFFE003, lr  }
0x1b: {  	s9 =	sadd.s32 $0xFFFFFEF7, lr;
	s5 =	simm.s32 $0xFFFFFFFF;
	p2 =	slt.u32 s8, $0xFFFFF086  }
0x1c: {  	p1 =	slt.u32 s9, $0xF7A;
	s5 =	simm.s32 @!p2 $0x0  }
0x1d: {  	s5 =	simm.s32 @p1 $0x1;
	p0 =	seq.s32 s7, s2  }
0x1e: {  	s7 =	smul.u32 @!p0 $0xF7A, s2;
	p2 =	seq.s32 @!p0 s5, $0x0  }
0x1f: {  	s9 =	smul.u32 $0xF7A, s1;
	s8 =	simm.s32 @!p0 $0x1BF5;
	p2 =	por !p2, p0  }
0x20: {  	[sflag:s8] =	ssyncset.s32 @!p0 $0xFFFFF086;
	s6 =	sadd.s32 @!p0 s3, s7;
	s7 =	simm.s32 @!p0 $0x108  }
0x21: {  	s3 =	sadd.s32 s3, s9;
	s6 =	sadd.s32 @!p0 $0x88, s6;
	s7 =	simm.s32 @p2 $0x1082  }
0x22: {  	[simem:s7], [sflag:s8] =	dma.local @!p0 [hbm:s6], $0xF7A  }
0x23: {  	s9 =	sor.u32 $0xD0000000, s2;
	s6 =	simm.s32 $0x108;
	_ =	swait.ge @!p0 [sflag:s8], $0x0  }
0x24: {  	s3 =	sadd.s32 $0x88, s3;
	s6 =	simm.s32 @!p1 $0x1082;
	[sflag:s4] =	ssyncset.s32 $0xFFFFF086  }
0x25: {  	[simem:s6], [sflag:s4] =	dma.local [hbm:s3], $0xF7A  }
0x26: {  	[smem:$0x3F9B] =	sst s1;
	(tag) =	ssettag s2;
	_ =	strace s9  }
0x27: {  	s1 =	sld [smem:$0x3FAB]  }
0x28: {  	s2 =	sld [smem:$0x3FAC]  }
0x29: {  	s4 =	sld [smem:$0x3FAE]  }
0x2a: {  	p0 =	seq.s32 s5, $0x0;
	s5 =	sld [smem:$0x3FAF]  }
0x2b: {  	s6 =	sld [smem:$0x3FB0]  }
0x2c: {  	s7 =	sld [smem:$0x3FB1]  }
0x2d: {  	s3 =	simm.s32 $0x108;
	s8 =	sld [smem:$0x3FB2]  }
0x2e: {  	s3 =	simm.s32 @!p0 $0x1082;
	s9 =	sld [smem:$0x3FB3]  }
0x2f: {  	lr =	sadd.s32 s0, s3;
	s0 =	sld [smem:$0x3FAA]  }
0x30: {  	s3 =	sld [smem:$0x3FAD]  }
0x31: {  	[smem:$0x3FB6] =	sst s10  }
0x32: {  	s10 =	sld [smem:$0x3FB4];
	_ =	sdelay $0x3  }
0x33: {  	p0 =	seq.s32 s10, $0x1;
	s10 =	sld [smem:$0x3FB6];
	_ =	sdelay $0x3  }
0x34: {  	[smem:$0x3FB6] =	sst s10  }
0x35: {  	s10 =	sld [smem:$0x3FB5];
	_ =	sdelay $0x3  }
0x36: {  	p1 =	seq.s32 s10, $0x1;
	s10 =	sld [smem:$0x3FB6];
	_ =	sdelay $0x3  }
0x37: {  	[smem:$0x3FB6] =	sst s10  }
0x38: {  	s10 =	sld [smem:$0x3FB7]  }
0x39: {  	_ = 	snop;
	(pc) =	sbr.ind lr, $3  }
0x3a: {  	_ = 	snop  }
0x3b: {  	_ = 	snop  }
0x3c: {  	p2 =	seq.s32 s10, $0x1;
	s10 =	sld [smem:$0x3FB6]  }
0x3d: {  	_ =	shalt  }
0x3e: {  	_ =	shalt  }
0x3f: {  	_ =	shalt  }
0x40: {  	_ =	shalt  }
0x41: {  	_ =	shalt  }
0x42: {  	_ =	shalt  }
0x43: {  	_ =	shalt  }
0x44: {  	_ =	shalt  }
0x45: {  	_ =	shalt  }
0x46: {  	_ =	shalt  }
0x47: {  	_ =	shalt  }
0x48: {  	_ =	shalt  }
0x49: {  	_ =	shalt  }
0x4a: {  	_ =	shalt  }
0x4b: {  	_ =	shalt  }
0x4c: {  	_ =	shalt  }
0x4d: {  	_ =	shalt  }
0x4e: {  	_ =	shalt  }
0x4f: {  	_ =	shalt  }
0x50: {  	_ =	shalt  }
0x51: {  	_ =	shalt  }
0x52: {  	_ =	shalt  }
0x53: {  	_ =	shalt  }
0x54: {  	_ =	shalt  }
0x55: {  	_ =	shalt  }
0x56: {  	_ =	shalt  }
0x57: {  	_ =	shalt  }
0x58: {  	_ =	shalt  }
0x59: {  	_ =	shalt  }
0x5a: {  	_ =	shalt  }
0x5b: {  	_ =	shalt  }
0x5c: {  	_ =	shalt  }
0x5d: {  	_ =	shalt  }
0x5e: {  	_ =	shalt  }
0x5f: {  	_ =	shalt  }
0x60: {  	_ =	shalt  }
0x61: {  	_ =	shalt  }
0x62: {  	_ =	shalt  }
0x63: {  	_ =	shalt  }
0x64: {  	_ =	shalt  }
0x65: {  	_ =	shalt  }
0x66: {  	_ =	shalt  }
0x67: {  	_ =	shalt  }
0x68: {  	_ =	shalt  }
0x69: {  	_ =	shalt  }
0x6a: {  	_ =	shalt  }
0x6b: {  	_ =	shalt  }
0x6c: {  	_ =	shalt  }
0x6d: {  	_ =	shalt  }
0x6e: {  	_ =	shalt  }
0x6f: {  	_ =	shalt  }
0x70: {  	_ =	shalt  }
0x71: {  	_ =	shalt  }
0x72: {  	_ =	shalt  }
0x73: {  	_ =	shalt  }
0x74: {  	_ =	shalt  }
0x75: {  	_ =	shalt  }
0x76: {  	_ =	shalt  }
0x77: {  	_ =	shalt  }
0x78: {  	_ =	shalt  }
0x79: {  	_ =	shalt  }
0x7a: {  	_ =	shalt  }
0x7b: {  	_ =	shalt  }
0x7c: {  	_ =	shalt  }
0x7d: {  	_ =	shalt  }
0x7e: {  	_ =	shalt  }
0x7f: {  	_ =	shalt  }
0x80: {  	_ =	shalt  }
0x81: {  	_ =	shalt  }
0x82: {  	_ =	shalt  }
0x83: {  	_ =	shalt  }
0x84: {  	_ =	shalt  }
0x85: {  	_ =	shalt  }
0x86: {  	_ =	shalt  }
0x87: {  	_ =	shalt  }
.Lfunc_end0:
.L_simem_size_0:
called_computation_lowered:
.L_overlay_start_0:
0x88: {  	s2 =	sld [smem:$0x3FD9]  }
0x89: {  	s3 =	sld [smem:$0x3FFE];
	_ =	sdelay $0x1  }
0x8a: {  	s1 =	srdreg.scid  }
0x8b: {  	s0 =	sand.u32 $0x1, s1  }
0x8c: {  	s17 =	sshll.u32 s0, $0xA;
	s2 =	sadd.s32 s3, s2  }
0x8d: {  	s2 =	sadd.s32 s2, s17  }
0x8e: {  	[smem:$0x3FC2] =	sst s2  }
0x8f: {  	_ = 	snop  }
0x90: {  	s2 =	sld [smem:$0x3FC9]  }
0x91: {  	s18 =	sld [smem:$0x3FC4]  }
0x92: {  	s4 =	sld [smem:$0x3FD0];
	(tm) =	ssettm $0x1  }
0x93: {  	s5 =	sld [smem:$0x3FFB];
	_ =	sdelay $0x3  }
0x94: {  	_ =	strace s5  }
0x95: {  	s5 =	sld [smem:$0x3FFC];
	_ =	sdelay $0x3  }
0x96: {  	_ =	strace s5  }
0x97: {  	s5 =	sld [smem:$0x3FFD];
	_ =	sdelay $0x3  }
0x98: {  	_ =	strace s5  }
0x99: {  	_ =	strace $0x8FFFFFFF  }
0x9a: {  	s19 =	sld [smem:$0x3FDB];
	_ =	sdelay $0x1  }
0x9b: {  	s6 =	simm.s32 $_scs_section_size  }
0x9c: {  	s7 =	simm.s32 $_size__tile_overlayer_lowered;
	s8 =	simm.s32 $_tile_overlayer_lowered  }
0x9d: {  	s22 =	simm.s32 $0x1BFF;
	s21 =	sshll.u32 s8, $0x1;
	s5 =	sadd.s32 s6, s19  }
0x9e: {  	s9 =	simm.s32 $0x0;
	s20 =	sshll.u32 s7, $0x1;
	s7 =	sadd.s32 s21, s5  }
0x9f: {  	[timem:s9], [sflag:s22] =	dma.local [hbm:s7], s20  }
0xa0: {  	_ =	swait.ge [sflag:s22], s20  }
0xa1: {  	s6 =	ssub.s32 $0x0, s20;
	[sflag:s22] =	ssyncset.done $0x0  }
0xa2: {  	[sflag:s22] =	ssyncadd.s32 s6;
	_ =	sdelay $0x1  }
0xa3: {  	s23 =	simm.s32 $0x1B8B  }
0xa4: {  	_ =	swait.ge [sflag:s23], $0x1  }
0xa5: {  	[sflag:s23] =	ssyncset.done $0x0  }
0xa6: {  	s25 =	simm.s32 $0x1B8E;
	s24 =	sld [smem:$0x3FFE];
	[sflag:s23] =	ssyncadd.s32 $0xFFFFFFFF  }
0xa7: {  	s26 =	simm.s32 $execute0_lowered;
	[smem:$0x3FD2] =	sst s25  }
0xa8: {  	s7 =	sshll.u32 s26, $0x1;
	_ =	strace $0x80000046;
	[dreg:$0x1] =	wrdreg $0xFFFFFFFF  }
0xa9: {  	s28 =	simm.s32 $_size_execute0_lowered;
	s5 =	sadd.s32 s5, s7;
	[dreg:$0x0] =	wrdreg $0x0  }
0xaa: {  	s7 =	sshll.u32 s28, $0x1;
	[dreg:$0x2] =	wrdreg s5  }
0xab: {  	[dreg:$0x3] =	wrdreg s7  }
0xac: {  	[dreg:$0x4] =	wrdreg $0xC0  }
0xad: {  	_ =	task [dreg:s9], $0x5FFFF  }
0xae: {  	[dreg:$0x1] =	wrdreg $0xFFFFFFFF  }
0xaf: {  	[dreg:$0x0] =	wrdreg $0x60  }
0xb0: {  	[dreg:$0x2] =	wrdreg s2  }
0xb1: {  	[dreg:$0x3] =	wrdreg s24  }
0xb2: {  	[dreg:$0x4] =	wrdreg s18  }
0xb3: {  	[dreg:$0x5] =	wrdreg s4  }
0xb4: {  	[dreg:$0x6] =	wrdreg $0xD1800  }
0xb5: {  	[dreg:$0x7] =	wrdreg $0x9  }
0xb6: {  	_ =	task.clear_ibuf [dreg:s9], $0x8FFFF;
	_ =	strace $0x90000046  }
0xb7: {  	s29 =	simm.s32 $0x9;
	_ =	strace $0x80000048  }
0xb8: {  	_ =	swait.ge [sflag:s29], $0x1  }
0xb9: {  	[sflag:s29] =	ssyncadd.s32 $0xFFFFFFFF  }
0xba: {  	_ =	strace $0x90000048  }
0xbb: {  	_ =	sfence  }
0xbc: {  	s30 =	sld [smem:$0x0];
	_ =	sdelay $0x2  }
0xbd: {  	s31 =	sshll.u32 s1, $0xD;
	s1 =	sshrl.u32 s1, $0x2  }
0xbe: {  	s3 =	sand.u32 $0x4000, s31;
	s1 =	sadd.s32 s1, s30  }
0xbf: {  	s0 =	sor.u32 s3, s0;
	s1 =	sshll.u32 s1, $0x11  }
0xc0: {  	s0 =	sor.u32 s1, s0  }
0xc1: {  	s0 =	sadd.s32 $0x8F2B, s0  }
0xc2: {  	[sflag:s0] =	ssyncadd.remote.s32 $0x1  }
0xc3: {  	_ =	sfence.sel $0xFFFF  }
0xc4: {  	[dreg:$0x0] =	wrdreg $0xFFFFFFFF;
	(pc) =	sbr.abs _section_cstart, $3  }
0xc5: {  	[dreg:$0x1] =	wrdreg $0xFFFFFFFF  }
0xc6: {  	_ =	task.clear_ibuf [dreg:s9], $0x2FFFF;
	_ =	strace $0x9FFFFFFF  }
0xc7: {  	(tm) =	ssettm $0x7FFFFFFF  }
tec
execute0_lowered:
.L_overlay_start_1:
0x0: {  	(tag) =	ssettag $0x1  }
0x1: {  	s0 =	rddreg [dreg:$0x0]  }
0x2: {  	s1 =	rddreg [dreg:$0x1]  }
0x3: {  	s4 =	rddreg [dreg:$0x3]  }
0x4: {  	s2 =	rddreg [dreg:$0x4]  }
0x5: {  	s3 =	simm.s32 $0x0;
	s13 =	stileid.u32;
	s26 =	srdreg.scid  }
0x6: {  	s12 =	simm.s32 $0x4;
	s14 =	simm.s32 $0x80;
	s15 =	simm.s32 $0x1080  }
0x7: {  	s19 =	simm.s32 $0x1;
	s20 =	simm.s32 $0x2;
	s21 =	simm.s32 $0x3  }
0x8: {  	s24 =	simm.s32 $0x7100;
	s28 =	simm.s32 $0x0;
	[smem:$0x7FF] =	sst s3  }
0x9: {  	s5 =	sadd.s32 $0x1600, s1;
	s25 =	sadd.s32 $0xB400, s1;
	s6 =	sadd.s32 $0x15200, s1  }
0xa: {  	s29 =	smul.u32 $0x14000, s13;
	_ =	strace $0x80000047;
	[dreg:$0x6] =	wrdreg s5  }
0xb: {  	s8 =	sshll.u32 s13, $0x8;
	s31 =	sshll.u32 s13, $0x6;
	[dreg:$0x7] =	wrdreg s25  }
0xc: {  	[dreg:$0x8] =	wrdreg s6;
	s5 =	sand.u32 $0x1, s26;
	s16 =	sor.u32 $0x1C03, s31  }
0xd: {  	s25 =	simm.s32 $0x3080;
	s7 =	ssub.s32 $0x2, s5;
	s5 =	sshll.u32 s5, $0x7  }
0xe: {  	s9 =	sshrl.u32 s29, $0x4;
	s30 =	sshrl.u32 s29, $0x1;
	s5 =	sor.u32 s5, s8  }
0xf: {  	s10 =	sshrl.u32 s7, $0x1;
	s1 =	sadd.s32 s9, s1;
	s8 =	sshrl.u32 s5, $0x3  }
0x10: {  	s7 =	ssub.s32 s7, s10;
	s5 =	sshll.u32 s5, $0x4;
	s0 =	sadd.s32 s0, s8  }
0x11: {  	v0 =	vlaneseq.u32;
	s9 =	sadd.s32 $0x29200, s1;
	[dreg:$0x9] =	wrdreg s0;
	s0 =	sadd.s32 s30, s2  }
0x12: {  	v0 =	vmul.u32 $0x20, v0;
	s10 =	sadd.s32 s4, s5;
	s11 =	smax.u32 s7, $0x1;
	s17 =	sshrl.u32 s0, $0x3  }
.LBB2_1:
0x13: {  	s0 =	rddreg [dreg:$0x9]  }
0x14: {  	[tilespmem:s3], [sflag:$0x4] =	stream.linear.gather [hbm4b:s0+s3], $0x80, $0x38;
	[tilespmem:$0x17180] =	vst v63  }
0x15: {  	_ =	swait.ge [sflag:s12], $0x80  }
0x16: {  	[sflag:s12] =	ssyncset.done $0x0  }
0x17: {  	[sflag:s12] =	ssyncadd.s32 $0xFFFFFF80  }
0x18: {  	s1 =	simm.s32 $0xD100;
	s22 =	rddreg [dreg:$0x2]  }
0x19: {  	[tilespmem:s1], [sflag:$0x4] =	stream.linear.gather [hbm4b:s22+s3], $0x80, $0x38;
	[tilespmem:$0x17180] =	vst v63  }
0x1a: {  	_ =	swait.ge [sflag:s12], $0x80  }
0x1b: {  	[sflag:s12] =	ssyncset.done $0x0  }
0x1c: {  	s23 =	rddreg [dreg:$0x6];
	[sflag:s12] =	ssyncadd.s32 $0xFFFFFF80  }
0x1d: {  	[tilespmem:s14], [sflag:$0x1] =	stream.indirect.gather [hbm4b:s23+s14], $0x20, s3, s14, $0xb8;
	[tilespmem:$0x17180] =	vst v63  }
0x1e: {  	s26 =	rddreg [dreg:$0x7]  }
0x1f: {  	[tilespmem:s15], [sflag:$0x1] =	stream.indirect.gather [hbm4b:s26+s14], $0x20, s3, s14, $0xb8;
	[tilespmem:$0x17180] =	vst v63  }
0x20: {  	[spmem:s17], [sflag:s16] =	dma.local [hbm:s9], $0x1400  }
0x21: {  	s30 =	simm.s32 $0x3100;
	s29 =	rddreg [dreg:$0x8]  }
0x22: {  	[tilespmem:s30], [sflag:$0x2] =	stream.indirect.gather [hbm4b:s29+s14], $0x40, s3, s14, $0xb8;
	[tilespmem:$0x17180] =	vst v63  }
0x23: {  	_ =	swait.ge [sflag:s19], $0x1000  }
0x24: {  	[sflag:s19] =	ssyncset.done $0x0  }
0x25: {  	[sflag:s19] =	ssyncadd.s32 $0xFFFFF000  }
0x26: {  	_ =	swait.ge [sflag:s19], $0x1000  }
0x27: {  	[sflag:s19] =	ssyncset.done $0x0  }
0x28: {  	s1 =	simm.s32 $0x1090;
	[sflag:s19] =	ssyncadd.s32 $0xFFFFF000  }
0x29: {  	s4 =	simm.s32 $0x90;
	v1 =	vld [tilespmem:s1+$0xFFFFFFF0]  }
0x2a: {  	v2 =	vld [tilespmem:s4+$0xFFFFFFF0]  }
0x2b: {  	v3 =	vld [tilespmem:s1+$0x0]  }
0x2c: {  	v4 =	vld [tilespmem:s4+$0x0];
	_ =	sdelay $0x2  }
0x2d: {  	s31 =	simm.s32 $0x2710;
	vm0 =	vgt.f32 v1, $0.0e+00  }
0x2e: {  	s7 =	sand.u32 $0xFE0, s3;
	vm15 =	vgt.f32 v3, $0.0e+00;
	v1 =	vnsel vm0, s31, v2  }
0x2f: {  	s5 =	simm.s32 $0x2711;
	s6 =	simm.s32 $0x0;
	[tilespmem:s7+$0x2080] =	vst v1;
	v1 =	vnsel vm15, s31, v4  }
.LBB2_2:
0x30: {  	[tilespmem:s7+$0x2090] =	vst v1;
	s6 =	sadd.s32 $0x20, s6;
	s1 =	sadd.s32 $0x20, s1;
	s4 =	sadd.s32 $0x20, s4  }
0x31: {  	p0 =	sne.s32 s5, $0x278F;
	s0 =	smov.u32 s5;
	s5 =	sadd.s32 $0x1, s5;
	v1 =	vld [tilespmem:s1+$0xFFFFFFF0]  }
0x32: {  	v2 =	vld [tilespmem:s4+$0xFFFFFFF0]  }
0x33: {  	v3 =	vld [tilespmem:s1+$0x0]  }
0x34: {  	v4 =	vld [tilespmem:s4+$0x0]  }
.Ltmp0:
0x35: {  	(pc) =	sbr.rel @p0 .LBB2_2-.Ltmp0, $4  }
0x36: {  	vm0 =	vgt.f32 v1, $0.0e+00  }
0x37: {  	s7 =	sand.u32 $0xFE0, s6;
	v1 =	vnsel vm0, s0, v2  }
0x38: {  	vm0 =	vgt.f32 v3, $0.0e+00;
	[tilespmem:s7+$0x2080] =	vst v1  }
0x39: {  	v1 =	vnsel vm0, s0, v4;
	s0 =	simm.s32 $0x0  }
0x3a: {  	[tilespmem:s7+$0x2090] =	vst v1;
	s1 =	simm.s32 $0x0  }
.LBB2_4:
0x3b: {  	s4 =	sshll.u32 s1, $0x4;
	v1 =	vmov s0  }
0x3c: {  	v2 =	vmov s4;
	v1 =	vand.u32 $0x1F, v1  }
0x3d: {  	v2 =	vshll.u32 v2, $0x5;
	v3 =	vbroadcast v1, $0x0  }
0x3e: {  	v1 =	vor.u32 v0, v2  }
0x3f: {  	s5 =	simm.s32 $0x1;
	v3 =	vor.u32 v1, v3  }
0x40: {  	v2 =	vmov s5  }
0x41: {  	v2 =	vand.u32 $0x1F, v2  }
0x42: {  	v4 =	vbroadcast v2, $0x0;
	_ =	sdelay $0x1  }
0x43: {  	s5 =	simm.s32 $0x2;
	v2 =	vimm.f32 $0.0e+00;
	v4 =	vor.u32 v1, v4;
	v3 =	vld.idx.msk [tilespmem:v3+s15+$0x0], $0xffff  }
.LBB2_5:
0x44: {  	p0 =	sne.s32 s5, $0x1F  }
.Ltmp1:
0x45: {  	v5 =	vmov s5;
	s5 =	sadd.s32 $0x1, s5;
	(pc) =	sbr.rel @p0 .LBB2_5-.Ltmp1, $4  }
0x46: {  	v5 =	vand.u32 $0x1F, v5  }
0x47: {  	v5 =	vbroadcast v5, $0x0  }
0x48: {  	v2 =	vadd.f32 v3, v2;
	v3 =	vld.idx.msk [tilespmem:v4+s15+$0x0], $0xffff  }
0x49: {  	v4 =	vor.u32 v1, v5  }
0x4a: {  	_ =	sdelay $0x3  }
0x4b: {  	v1 =	vld.idx.msk [tilespmem:v4+s15+$0x0], $0xffff;
	_ =	sdelay $0x2  }
0x4c: {  	v2 =	vadd.f32 v3, v2;
	_ =	sdelay $0x1  }
0x4d: {  	v1 =	vadd.f32 v1, v2;
	_ =	sdelay $0x1  }
0x4e: {  	v1 =	vmax.f32 v1, $1.000000000e+00  }
0x4f: {  	(erf) = vrcp.f32 v1;
	_ =	sdelay $0x3  }
0x50: {  	s1 =	sadd.s32 $0x1, s1  }
0x51: {  	p0 =	sne.s32 s1, $0x8  }
.Ltmp2:
0x52: {  	_ = 	snop;
	(pc) =	sbr.rel @p0 .LBB2_4-.Ltmp2, $3  }
0x53: {  	_ =	sdelay $0x1  }
0x54: {  	v1 =	vpop (erf)  }
0x55: {  	[tilespmem:s4+$0x3080] =	vst v1  }
0x56: {  	_ =	swait.ge [sflag:s20], $0x2000  }
0x57: {  	[sflag:s20] =	ssyncset.done $0x0  }
0x58: {  	[sflag:s20] =	ssyncadd.s32 $0xFFFFE000  }
0x59: {  	_ =	swait.ge [sflag:s21], $0x1400  }
0x5a: {  	[sflag:s21] =	ssyncset.done $0x0  }
0x5b: {  	s0 =	simm.s32 $0x2080;
	s1 =	simm.s32 $0x5100;
	[sflag:s21] =	ssyncadd.s32 $0xFFFFEC00  }
0x5c: {  	s29 =	simm.s32 $0x0;
	s7 =	simm.s32 $0x3100;
	[bflag:$0x0] =	sbarrier.arrive $0xFFFF  }
0x5d: {  	[tilespmem:s1], [sflag:$0x1] =	stream.indirect.gather [spmem:s2], $0x40, s0, s14, $0xb8;
	[tilespmem:$0x17180] =	vst v63  }
0x5e: {  	s22 =	simm.s32 $0x9100;
	s4 =	simm.s32 $0x9300;
	s0 =	simm.s32 $0x3200  }
.LBB2_8:
0x5f: {  	s1 =	sshllo.u32 s29, $0x1;
	_ =	swait.ge [sflag:s19], $0x2000;
	s13 =	sshll.u32 s29, $0x3  }
0x60: {  	s6 =	simm.s32 $0x5500;
	s31 =	smov.u32 s22;
	s5 =	sshll.u32 s1, $0x7  }
0x61: {  	s23 =	smov.u32 s7;
	[sflag:s19] =	ssyncset.done $0x0;
	s5 =	sand.u32 $0x3FFFFF80, s5  }
0x62: {  	s26 =	simm.s32 $0x0;
	[sflag:s19] =	ssyncadd.s32 $0xFFFFE000;
	s5 =	sadd.s32 $0x2080, s5  }
0x63: {  	[tilespmem:s24], [sflag:$0x2] =	stream.indirect.gather [spmem:s2], $0x40, s5, s14, $0xb8;
	[tilespmem:$0x17180] =	vst v63  }
.LBB2_9:
0x64: {  	v1 =	vld [tilespmem:s6+$0xFFFFFC00];
	_ =	sdelay $0x1  }
0x65: {  	v2 =	vld [tilespmem:s6+$0xFFFFFC40];
	_ =	sdelay $0x1  }
0x66: {  	v3 =	vld [tilespmem:s6+$0xFFFFFC80]  }
0x67: {  	v4 =	vunpack.i.l.bf16.f32 v1  }
0x68: {  	v5 =	vld [tilespmem:s6+$0xFFFFFCC0];
	v4 =	vadd.f32 $0.0e+00, v4  }
0x69: {  	v6 =	vunpack.i.l.bf16.f32 v2  }
0x6a: {  	v27 =	vld [tilespmem:s6+$0xFFFFFD00];
	v4 =	vadd.f32 v6, v4  }
0x6b: {  	v7 =	vunpack.i.l.bf16.f32 v3  }
0x6c: {  	v28 =	vld [tilespmem:s6+$0xFFFFFD40];
	v4 =	vadd.f32 v7, v4  }
0x6d: {  	v8 =	vunpack.i.l.bf16.f32 v5  }
0x6e: {  	v29 =	vld [tilespmem:s6+$0xFFFFFD80];
	v4 =	vadd.f32 v8, v4  }
0x6f: {  	v9 =	vunpack.i.l.bf16.f32 v27  }
0x70: {  	v30 =	vld [tilespmem:s6+$0xFFFFFDC0];
	v1 =	vunpack.i.u.bf16.f32 v1;
	v4 =	vadd.f32 v9, v4  }
0x71: {  	v10 =	vunpack.i.l.bf16.f32 v28;
	v1 =	vadd.f32 $0.0e+00, v1  }
0x72: {  	v31 =	vld [tilespmem:s6+$0xFFFFFE00];
	v2 =	vunpack.i.u.bf16.f32 v2;
	v4 =	vadd.f32 v10, v4  }
0x73: {  	v1 =	vadd.f32 v2, v1;
	v2 =	vunpack.i.l.bf16.f32 v29  }
0x74: {  	v3 =	vunpack.i.u.bf16.f32 v3;
	v2 =	vadd.f32 v2, v4;
	v4 =	vld [tilespmem:s6+$0xFFFFFE40]  }
0x75: {  	v1 =	vadd.f32 v3, v1;
	v3 =	vunpack.i.l.bf16.f32 v30  }
0x76: {  	v5 =	vunpack.i.u.bf16.f32 v5;
	v2 =	vadd.f32 v3, v2;
	v3 =	vld [tilespmem:s6+$0xFFFFFE80]  }
0x77: {  	v1 =	vadd.f32 v5, v1;
	v5 =	vunpack.i.l.bf16.f32 v31  }
0x78: {  	v6 =	vunpack.i.u.bf16.f32 v27;
	v2 =	vadd.f32 v5, v2;
	v5 =	vld [tilespmem:s6+$0xFFFFFEC0]  }
0x79: {  	v1 =	vadd.f32 v6, v1;
	v32 =	vunpack.i.l.bf16.f32 v4  }
0x7a: {  	v33 =	vld [tilespmem:s6+$0xFFFFFF00];
	v7 =	vunpack.i.u.bf16.f32 v28;
	v2 =	vadd.f32 v32, v2  }
0x7b: {  	v1 =	vadd.f32 v7, v1;
	v34 =	vunpack.i.l.bf16.f32 v3  }
0x7c: {  	v35 =	vld [tilespmem:s6+$0xFFFFFF40];
	v8 =	vunpack.i.u.bf16.f32 v29;
	v2 =	vadd.f32 v34, v2  }
0x7d: {  	v1 =	vadd.f32 v8, v1;
	v36 =	vunpack.i.l.bf16.f32 v5  }
0x7e: {  	v37 =	vld [tilespmem:s6+$0xFFFFFF80];
	v9 =	vunpack.i.u.bf16.f32 v30;
	v2 =	vadd.f32 v36, v2  }
0x7f: {  	v38 =	vunpack.i.l.bf16.f32 v33;
	v1 =	vadd.f32 v9, v1  }
0x80: {  	v39 =	vld [tilespmem:s6+$0xFFFFFFC0];
	v10 =	vunpack.i.u.bf16.f32 v31;
	v2 =	vadd.f32 v38, v2  }
0x81: {  	v40 =	vunpack.i.l.bf16.f32 v35;
	v1 =	vadd.f32 v10, v1  }
0x82: {  	v41 =	vld [tilespmem:s6+$0x0];
	v4 =	vunpack.i.u.bf16.f32 v4;
	v2 =	vadd.f32 v40, v2  }
0x83: {  	v1 =	vadd.f32 v4, v1;
	v4 =	vunpack.i.l.bf16.f32 v37  }
0x84: {  	v3 =	vunpack.i.u.bf16.f32 v3;
	v2 =	vadd.f32 v4, v2;
	v4 =	vld [tilespmem:s6+$0x40]  }
0x85: {  	v1 =	vadd.f32 v3, v1;
	v3 =	vunpack.i.l.bf16.f32 v39  }
0x86: {  	v5 =	vunpack.i.u.bf16.f32 v5;
	v2 =	vadd.f32 v3, v2;
	v3 =	vld [tilespmem:s6+$0x80]  }
0x87: {  	v1 =	vadd.f32 v5, v1;
	v5 =	vunpack.i.l.bf16.f32 v41  }
0x88: {  	v6 =	vunpack.i.u.bf16.f32 v33;
	v2 =	vadd.f32 v5, v2;
	v5 =	vld [tilespmem:s6+$0xC0]  }
0x89: {  	v1 =	vadd.f32 v6, v1;
	v42 =	vunpack.i.l.bf16.f32 v4  }
0x8a: {  	v43 =	vld [tilespmem:s6+$0x100];
	v7 =	vunpack.i.u.bf16.f32 v35;
	v2 =	vadd.f32 v42, v2  }
0x8b: {  	v1 =	vadd.f32 v7, v1;
	v44 =	vunpack.i.l.bf16.f32 v3  }
0x8c: {  	v45 =	vld [tilespmem:s6+$0x140];
	v8 =	vunpack.i.u.bf16.f32 v37;
	v2 =	vadd.f32 v44, v2  }
0x8d: {  	v1 =	vadd.f32 v8, v1;
	v46 =	vunpack.i.l.bf16.f32 v5  }
0x8e: {  	v47 =	vld [tilespmem:s6+$0x180];
	v9 =	vunpack.i.u.bf16.f32 v39;
	v2 =	vadd.f32 v46, v2  }
0x8f: {  	v48 =	vunpack.i.l.bf16.f32 v43;
	v1 =	vadd.f32 v9, v1  }
0x90: {  	v49 =	vld [tilespmem:s6+$0x1C0];
	v10 =	vunpack.i.u.bf16.f32 v41;
	v2 =	vadd.f32 v48, v2  }
0x91: {  	v50 =	vunpack.i.l.bf16.f32 v45;
	v1 =	vadd.f32 v10, v1  }
0x92: {  	v51 =	vld [tilespmem:s6+$0x200];
	v4 =	vunpack.i.u.bf16.f32 v4;
	v2 =	vadd.f32 v50, v2  }
0x93: {  	v1 =	vadd.f32 v4, v1;
	v4 =	vunpack.i.l.bf16.f32 v47  }
0x94: {  	v3 =	vunpack.i.u.bf16.f32 v3;
	v2 =	vadd.f32 v4, v2;
	v4 =	vld [tilespmem:s6+$0x240]  }
0x95: {  	v1 =	vadd.f32 v3, v1;
	v3 =	vunpack.i.l.bf16.f32 v49  }
0x96: {  	v5 =	vunpack.i.u.bf16.f32 v5;
	v2 =	vadd.f32 v3, v2;
	v3 =	vld [tilespmem:s6+$0x280]  }
0x97: {  	v1 =	vadd.f32 v5, v1;
	v5 =	vunpack.i.l.bf16.f32 v51  }
0x98: {  	v6 =	vunpack.i.u.bf16.f32 v43;
	v2 =	vadd.f32 v5, v2;
	v5 =	vld [tilespmem:s6+$0x2C0]  }
0x99: {  	v1 =	vadd.f32 v6, v1;
	v52 =	vunpack.i.l.bf16.f32 v4  }
0x9a: {  	v53 =	vld [tilespmem:s6+$0x300];
	v7 =	vunpack.i.u.bf16.f32 v45;
	v2 =	vadd.f32 v52, v2  }
0x9b: {  	v1 =	vadd.f32 v7, v1;
	v54 =	vunpack.i.l.bf16.f32 v3  }
0x9c: {  	v55 =	vld [tilespmem:s6+$0x340];
	v8 =	vunpack.i.u.bf16.f32 v47;
	v2 =	vadd.f32 v54, v2  }
0x9d: {  	s5 =	sadd.s32 s13, s26;
	v1 =	vadd.f32 v8, v1;
	v56 =	vunpack.i.l.bf16.f32 v5  }
0x9e: {  	v57 =	vld [tilespmem:s6+$0x380];
	v11 =	vmov s5;
	v9 =	vunpack.i.u.bf16.f32 v49;
	v2 =	vadd.f32 v56, v2  }
0x9f: {  	v58 =	vunpack.i.l.bf16.f32 v53;
	v1 =	vadd.f32 v9, v1  }
0xa0: {  	v59 =	vld [tilespmem:s6+$0x3C0];
	v10 =	vunpack.i.u.bf16.f32 v51;
	v2 =	vadd.f32 v58, v2  }
0xa1: {  	v10 =	vadd.f32 v10, v1;
	v1 =	vunpack.i.l.bf16.f32 v55  }
0xa2: {  	v4 =	vunpack.i.u.bf16.f32 v4;
	v2 =	vadd.f32 v1, v2  }
0xa3: {  	v60 =	vunpack.i.l.bf16.f32 v57;
	v4 =	vadd.f32 v4, v10;
	v1 =	vld.idx.msk [tilespmem:v11+s25+$0x0], $0xffff  }
0xa4: {  	v61 =	vld [tilespmem:s23+$0x0];
	v3 =	vunpack.i.u.bf16.f32 v3;
	v2 =	vadd.f32 v60, v2  }
0xa5: {  	v3 =	vadd.f32 v3, v4;
	v4 =	vunpack.i.l.bf16.f32 v59  }
0xa6: {  	s8 =	simm.s32 $0x0;
	v2 =	vadd.f32 v4, v2;
	v4 =	vunpack.i.u.bf16.f32 v5  }
0xa7: {  	v3 =	vadd.f32 v4, v3;
	v4 =	vld [tilespmem:s8+$0xD100]  }
0xa8: {  	v5 =	vunpack.i.u.bf16.f32 v53;
	v2 =	vmul.f32 v2, v1  }
0xa9: {  	v3 =	vadd.f32 v5, v3;
	v5 =	vunpack.i.l.bf16.f32 v61  }
0xaa: {  	v62 =	vunpack.i.u.bf16.f32 v55;
	v5 =	vadd.f32 v5, v2;
	v2 =	vmov s31  }
0xab: {  	v3 =	vadd.f32 v62, v3  }
0xac: {  	v63 =	vunpack.i.u.bf16.f32 v57;
	v4 =	vadd.f32 v4, v5  }
0xad: {  	v3 =	vadd.f32 v63, v3  }
0xae: {  	v5 =	vunpack.i.u.bf16.f32 v59;
	v4 =	vmax.f32 v4, $0.0e+00  }
0xaf: {  	v3 =	vadd.f32 v5, v3;
	[tilespmem:v2+s8+$0x0 ss:$0x1] =	vst.idx.msk $0xffff, v4  }
0xb0: {  	v4 =	vld [tilespmem:s8+$0xD110]  }
0xb1: {  	v3 =	vmul.f32 v3, v1  }
0xb2: {  	v5 =	vunpack.i.u.bf16.f32 v61  }
0xb3: {  	v3 =	vadd.f32 v5, v3;
	_ =	sdelay $0x1  }
0xb4: {  	v3 =	vadd.f32 v4, v3;
	_ =	sdelay $0x1  }
0xb5: {  	s18 =	smov.u32 s6;
	s30 =	smov.u32 s23;
	s5 =	simm.s32 $0x80;
	v3 =	vmax.f32 v3, $0.0e+00  }
.LBB2_10:
0xb6: {  	p0 =	sne.s32 s5, $0x180;
	[tilespmem:v2+s8+$0x10 ss:$0x1] =	vst.idx.msk $0xffff, v3;
	s18 =	sadd.s32 $0x10, s18;
	s30 =	sadd.s32 $0x10, s30  }
0xb7: {  	s8 =	smov.u32 s5;
	s5 =	sadd.s32 $0x80, s5;
	v3 =	vld [tilespmem:s18+$0xFFFFFC00];
	_ =	sdelay $0x1  }
0xb8: {  	v4 =	vld [tilespmem:s18+$0xFFFFFC40];
	_ =	sdelay $0x1  }
0xb9: {  	v5 =	vld [tilespmem:s18+$0xFFFFFC80]  }
0xba: {  	v6 =	vunpack.i.u.bf16.f32 v3;
	v3 =	vunpack.i.l.bf16.f32 v3  }
0xbb: {  	v3 =	vadd.f32 $0.0e+00, v3;
	v6 =	vadd.f32 $0.0e+00, v6;
	v7 =	vld [tilespmem:s18+$0xFFFFFCC0]  }
0xbc: {  	v8 =	vunpack.i.u.bf16.f32 v4;
	v4 =	vunpack.i.l.bf16.f32 v4  }
0xbd: {  	v3 =	vadd.f32 v4, v3;
	v4 =	vadd.f32 v8, v6;
	v6 =	vld [tilespmem:s18+$0xFFFFFD00]  }
0xbe: {  	v8 =	vunpack.i.u.bf16.f32 v5;
	v5 =	vunpack.i.l.bf16.f32 v5  }
0xbf: {  	v3 =	vadd.f32 v5, v3;
	v4 =	vadd.f32 v8, v4;
	v5 =	vld [tilespmem:s18+$0xFFFFFD40]  }
0xc0: {  	v8 =	vunpack.i.u.bf16.f32 v7;
	v7 =	vunpack.i.l.bf16.f32 v7  }
0xc1: {  	v3 =	vadd.f32 v7, v3;
	v4 =	vadd.f32 v8, v4;
	v7 =	vld [tilespmem:s18+$0xFFFFFD80]  }
0xc2: {  	v8 =	vunpack.i.u.bf16.f32 v6;
	v6 =	vunpack.i.l.bf16.f32 v6  }
0xc3: {  	v3 =	vadd.f32 v6, v3;
	v4 =	vadd.f32 v8, v4;
	v6 =	vld [tilespmem:s18+$0xFFFFFDC0]  }
0xc4: {  	v8 =	vunpack.i.u.bf16.f32 v5;
	v5 =	vunpack.i.l.bf16.f32 v5  }
0xc5: {  	v3 =	vadd.f32 v5, v3;
	v4 =	vadd.f32 v8, v4;
	v5 =	vld [tilespmem:s18+$0xFFFFFE00]  }
0xc6: {  	v8 =	vunpack.i.u.bf16.f32 v7;
	v7 =	vunpack.i.l.bf16.f32 v7  }
0xc7: {  	v3 =	vadd.f32 v7, v3;
	v4 =	vadd.f32 v8, v4;
	v7 =	vld [tilespmem:s18+$0xFFFFFE40]  }
0xc8: {  	v8 =	vunpack.i.u.bf16.f32 v6;
	v6 =	vunpack.i.l.bf16.f32 v6  }
0xc9: {  	v3 =	vadd.f32 v6, v3;
	v4 =	vadd.f32 v8, v4;
	v6 =	vld [tilespmem:s18+$0xFFFFFE80]  }
0xca: {  	v8 =	vunpack.i.u.bf16.f32 v5;
	v5 =	vunpack.i.l.bf16.f32 v5  }
0xcb: {  	v3 =	vadd.f32 v5, v3;
	v4 =	vadd.f32 v8, v4;
	v5 =	vld [tilespmem:s18+$0xFFFFFEC0]  }
0xcc: {  	v8 =	vunpack.i.u.bf16.f32 v7;
	v7 =	vunpack.i.l.bf16.f32 v7  }
0xcd: {  	v3 =	vadd.f32 v7, v3;
	v4 =	vadd.f32 v8, v4;
	v7 =	vld [tilespmem:s18+$0xFFFFFF00]  }
0xce: {  	v8 =	vunpack.i.u.bf16.f32 v6;
	v6 =	vunpack.i.l.bf16.f32 v6  }
0xcf: {  	v3 =	vadd.f32 v6, v3;
	v4 =	vadd.f32 v8, v4;
	v6 =	vld [tilespmem:s18+$0xFFFFFF40]  }
0xd0: {  	v8 =	vunpack.i.u.bf16.f32 v5;
	v5 =	vunpack.i.l.bf16.f32 v5  }
0xd1: {  	v3 =	vadd.f32 v5, v3;
	v4 =	vadd.f32 v8, v4;
	v5 =	vld [tilespmem:s18+$0xFFFFFF80]  }
0xd2: {  	v8 =	vunpack.i.u.bf16.f32 v7;
	v7 =	vunpack.i.l.bf16.f32 v7  }
0xd3: {  	v3 =	vadd.f32 v7, v3;
	v4 =	vadd.f32 v8, v4;
	v7 =	vld [tilespmem:s18+$0xFFFFFFC0]  }
0xd4: {  	v8 =	vunpack.i.u.bf16.f32 v6;
	v6 =	vunpack.i.l.bf16.f32 v6  }
0xd5: {  	v3 =	vadd.f32 v6, v3;
	v4 =	vadd.f32 v8, v4;
	v6 =	vld [tilespmem:s18+$0x0]  }
0xd6: {  	v8 =	vunpack.i.u.bf16.f32 v5;
	v5 =	vunpack.i.l.bf16.f32 v5  }
0xd7: {  	v3 =	vadd.f32 v5, v3;
	v4 =	vadd.f32 v8, v4;
	v5 =	vld [tilespmem:s18+$0x40]  }
0xd8: {  	v8 =	vunpack.i.u.bf16.f32 v7;
	v7 =	vunpack.i.l.bf16.f32 v7  }
0xd9: {  	v3 =	vadd.f32 v7, v3;
	v4 =	vadd.f32 v8, v4;
	v7 =	vld [tilespmem:s18+$0x80]  }
0xda: {  	v8 =	vunpack.i.u.bf16.f32 v6;
	v6 =	vunpack.i.l.bf16.f32 v6  }
0xdb: {  	v3 =	vadd.f32 v6, v3;
	v4 =	vadd.f32 v8, v4;
	v6 =	vld [tilespmem:s18+$0xC0]  }
0xdc: {  	v8 =	vunpack.i.u.bf16.f32 v5;
	v5 =	vunpack.i.l.bf16.f32 v5  }
0xdd: {  	v3 =	vadd.f32 v5, v3;
	v4 =	vadd.f32 v8, v4;
	v5 =	vld [tilespmem:s18+$0x100]  }
0xde: {  	v8 =	vunpack.i.u.bf16.f32 v7;
	v7 =	vunpack.i.l.bf16.f32 v7  }
0xdf: {  	v3 =	vadd.f32 v7, v3;
	v4 =	vadd.f32 v8, v4;
	v7 =	vld [tilespmem:s18+$0x140]  }
0xe0: {  	v8 =	vunpack.i.u.bf16.f32 v6;
	v6 =	vunpack.i.l.bf16.f32 v6  }
0xe1: {  	v3 =	vadd.f32 v6, v3;
	v4 =	vadd.f32 v8, v4;
	v6 =	vld [tilespmem:s18+$0x180]  }
0xe2: {  	v8 =	vunpack.i.u.bf16.f32 v5;
	v5 =	vunpack.i.l.bf16.f32 v5  }
0xe3: {  	v3 =	vadd.f32 v5, v3;
	v4 =	vadd.f32 v8, v4;
	v5 =	vld [tilespmem:s18+$0x1C0]  }
0xe4: {  	v8 =	vunpack.i.u.bf16.f32 v7;
	v7 =	vunpack.i.l.bf16.f32 v7  }
0xe5: {  	v3 =	vadd.f32 v7, v3;
	v4 =	vadd.f32 v8, v4;
	v7 =	vld [tilespmem:s18+$0x200]  }
0xe6: {  	v8 =	vunpack.i.u.bf16.f32 v6;
	v6 =	vunpack.i.l.bf16.f32 v6  }
0xe7: {  	v3 =	vadd.f32 v6, v3;
	v4 =	vadd.f32 v8, v4;
	v6 =	vld [tilespmem:s18+$0x240]  }
0xe8: {  	v8 =	vunpack.i.u.bf16.f32 v5;
	v5 =	vunpack.i.l.bf16.f32 v5  }
0xe9: {  	v3 =	vadd.f32 v5, v3;
	v4 =	vadd.f32 v8, v4;
	v5 =	vld [tilespmem:s18+$0x280]  }
0xea: {  	v8 =	vunpack.i.u.bf16.f32 v7;
	v7 =	vunpack.i.l.bf16.f32 v7  }
0xeb: {  	v3 =	vadd.f32 v7, v3;
	v4 =	vadd.f32 v8, v4;
	v7 =	vld [tilespmem:s18+$0x2C0]  }
0xec: {  	v8 =	vunpack.i.u.bf16.f32 v6;
	v6 =	vunpack.i.l.bf16.f32 v6  }
0xed: {  	v3 =	vadd.f32 v6, v3;
	v4 =	vadd.f32 v8, v4;
	v6 =	vld [tilespmem:s18+$0x300]  }
0xee: {  	v8 =	vunpack.i.u.bf16.f32 v5;
	v5 =	vunpack.i.l.bf16.f32 v5  }
0xef: {  	v3 =	vadd.f32 v5, v3;
	v4 =	vadd.f32 v8, v4;
	v5 =	vld [tilespmem:s18+$0x340]  }
0xf0: {  	v8 =	vunpack.i.u.bf16.f32 v7;
	v7 =	vunpack.i.l.bf16.f32 v7  }
0xf1: {  	v3 =	vadd.f32 v7, v3;
	v4 =	vadd.f32 v8, v4;
	v7 =	vld [tilespmem:s18+$0x380]  }
0xf2: {  	v8 =	vunpack.i.u.bf16.f32 v6;
	v6 =	vunpack.i.l.bf16.f32 v6  }
0xf3: {  	v3 =	vadd.f32 v6, v3;
	v4 =	vadd.f32 v8, v4;
	v6 =	vld [tilespmem:s18+$0x3C0]  }
0xf4: {  	v8 =	vunpack.i.u.bf16.f32 v5;
	v5 =	vunpack.i.l.bf16.f32 v5  }
0xf5: {  	v3 =	vadd.f32 v5, v3;
	v4 =	vadd.f32 v8, v4  }
0xf6: {  	v5 =	vunpack.i.u.bf16.f32 v7;
	v7 =	vunpack.i.l.bf16.f32 v7  }
0xf7: {  	v3 =	vadd.f32 v7, v3;
	v4 =	vadd.f32 v5, v4;
	v5 =	vld [tilespmem:s30+$0x0]  }
0xf8: {  	v7 =	vunpack.i.u.bf16.f32 v6;
	v6 =	vunpack.i.l.bf16.f32 v6  }
0xf9: {  	s8 =	sshra.s32 s8, $0x2;
	v3 =	vadd.f32 v6, v3;
	v4 =	vadd.f32 v7, v4  }
0xfa: {  	v6 =	vld [tilespmem:s8+$0xD100]  }
0xfb: {  	v3 =	vmul.f32 v3, v1;
	v4 =	vmul.f32 v4, v1  }
0xfc: {  	v7 =	vunpack.i.l.bf16.f32 v5  }
0xfd: {  	v3 =	vadd.f32 v7, v3;
	_ =	sdelay $0x1  }
0xfe: {  	v3 =	vadd.f32 v6, v3;
	_ =	sdelay $0x1  }
0xff: {  	v3 =	vmax.f32 v3, $0.0e+00  }
0x100: {  	[tilespmem:v2+s8+$0x0 ss:$0x1] =	vst.idx.msk $0xffff, v3  }
0x101: {  	v3 =	vld [tilespmem:s8+$0xD110];
	_ =	sdelay $0x1  }
0x102: {  	v5 =	vunpack.i.u.bf16.f32 v5  }
.Ltmp3:
0x103: {  	v4 =	vadd.f32 v5, v4;
	(pc) =	sbr.rel @p0 .LBB2_10-.Ltmp3, $3  }
0x104: {  	_ = 	snop  }
0x105: {  	v3 =	vadd.f32 v3, v4;
	_ =	sdelay $0x1  }
0x106: {  	v3 =	vmax.f32 v3, $0.0e+00  }
0x107: {  	s26 =	sadd.s32 $0x1, s26  }
0x108: {  	p0 =	sne.s32 s26, $0x4  }
.Ltmp4:
0x109: {  	_ = 	snop;
	(pc) =	sbr.rel @p0 .LBB2_9-.Ltmp4, $2  }
0x10a: {  	_ =	sdelay $0x2  }
0x10b: {  	[tilespmem:v2+s8+$0x10 ss:$0x1] =	vst.idx.msk $0xffff, v3;
	s6 =	sadd.s32 $0x800, s6;
	s23 =	sadd.s32 $0x40, s23;
	s31 =	sadd.s32 $0x80, s31  }
0x10c: {  	_ =	swait.ge [sflag:s20], $0x2000;
	p0 =	seq.s32 s29, $0xF  }
0x10d: {  	s1 =	sshll.u32 s1, $0x2;
	s13 =	simm.s32 $0x0;
	s18 =	simm.s32 $0x7500  }
0x10e: {  	s30 =	smov.u32 s4;
	s26 =	smov.u32 s0;
	s5 =	sshll.u32 @!p0 s29, $0x8  }
0x10f: {  	[sflag:s20] =	ssyncset.done $0x0;
	s6 =	simm.s32 @!p0 $0x80;
	s5 =	sand.u32 @!p0 $0x3FFFFF00, s5  }
0x110: {  	s8 =	simm.s32 @!p0 $0x5100;
	[sflag:s20] =	ssyncadd.s32 $0xFFFFE000;
	s5 =	sadd.s32 @!p0 $0x2180, s5  }
0x111: {  	[tilespmem:s8], [sflag:$0x1] =	stream.indirect.gather @!p0 [spmem:s2], $0x40, s5, s6, $0xb8;
	[tilespmem:$0x17180] =	vst v63  }
.LBB2_13:
0x112: {  	v1 =	vld [tilespmem:s18+$0xFFFFFC00];
	_ =	sdelay $0x1  }
0x113: {  	v2 =	vld [tilespmem:s18+$0xFFFFFC40];
	_ =	sdelay $0x1  }
0x114: {  	v3 =	vld [tilespmem:s18+$0xFFFFFC80]  }
0x115: {  	v4 =	vunpack.i.l.bf16.f32 v1  }
0x116: {  	v5 =	vld [tilespmem:s18+$0xFFFFFCC0];
	v4 =	vadd.f32 $0.0e+00, v4  }
0x117: {  	v6 =	vunpack.i.l.bf16.f32 v2  }
0x118: {  	v27 =	vld [tilespmem:s18+$0xFFFFFD00];
	v4 =	vadd.f32 v6, v4  }
0x119: {  	v7 =	vunpack.i.l.bf16.f32 v3  }
0x11a: {  	v28 =	vld [tilespmem:s18+$0xFFFFFD40];
	v4 =	vadd.f32 v7, v4  }
0x11b: {  	v8 =	vunpack.i.l.bf16.f32 v5  }
0x11c: {  	v29 =	vld [tilespmem:s18+$0xFFFFFD80];
	v4 =	vadd.f32 v8, v4  }
0x11d: {  	v9 =	vunpack.i.l.bf16.f32 v27  }
0x11e: {  	v30 =	vld [tilespmem:s18+$0xFFFFFDC0];
	v1 =	vunpack.i.u.bf16.f32 v1;
	v4 =	vadd.f32 v9, v4  }
0x11f: {  	v10 =	vunpack.i.l.bf16.f32 v28;
	v1 =	vadd.f32 $0.0e+00, v1  }
0x120: {  	v31 =	vld [tilespmem:s18+$0xFFFFFE00];
	v2 =	vunpack.i.u.bf16.f32 v2;
	v4 =	vadd.f32 v10, v4  }
0x121: {  	v1 =	vadd.f32 v2, v1;
	v2 =	vunpack.i.l.bf16.f32 v29  }
0x122: {  	v3 =	vunpack.i.u.bf16.f32 v3;
	v2 =	vadd.f32 v2, v4;
	v4 =	vld [tilespmem:s18+$0xFFFFFE40]  }
0x123: {  	v1 =	vadd.f32 v3, v1;
	v3 =	vunpack.i.l.bf16.f32 v30  }
0x124: {  	v5 =	vunpack.i.u.bf16.f32 v5;
	v2 =	vadd.f32 v3, v2;
	v3 =	vld [tilespmem:s18+$0xFFFFFE80]  }
0x125: {  	v1 =	vadd.f32 v5, v1;
	v5 =	vunpack.i.l.bf16.f32 v31  }
0x126: {  	v6 =	vunpack.i.u.bf16.f32 v27;
	v2 =	vadd.f32 v5, v2;
	v5 =	vld [tilespmem:s18+$0xFFFFFEC0]  }
0x127: {  	v1 =	vadd.f32 v6, v1;
	v32 =	vunpack.i.l.bf16.f32 v4  }
0x128: {  	v33 =	vld [tilespmem:s18+$0xFFFFFF00];
	v7 =	vunpack.i.u.bf16.f32 v28;
	v2 =	vadd.f32 v32, v2  }
0x129: {  	v1 =	vadd.f32 v7, v1;
	v34 =	vunpack.i.l.bf16.f32 v3  }
0x12a: {  	v35 =	vld [tilespmem:s18+$0xFFFFFF40];
	v8 =	vunpack.i.u.bf16.f32 v29;
	v2 =	vadd.f32 v34, v2  }
0x12b: {  	v1 =	vadd.f32 v8, v1;
	v36 =	vunpack.i.l.bf16.f32 v5  }
0x12c: {  	v37 =	vld [tilespmem:s18+$0xFFFFFF80];
	v9 =	vunpack.i.u.bf16.f32 v30;
	v2 =	vadd.f32 v36, v2  }
0x12d: {  	v38 =	vunpack.i.l.bf16.f32 v33;
	v1 =	vadd.f32 v9, v1  }
0x12e: {  	v39 =	vld [tilespmem:s18+$0xFFFFFFC0];
	v10 =	vunpack.i.u.bf16.f32 v31;
	v2 =	vadd.f32 v38, v2  }
0x12f: {  	v40 =	vunpack.i.l.bf16.f32 v35;
	v1 =	vadd.f32 v10, v1  }
0x130: {  	v41 =	vld [tilespmem:s18+$0x0];
	v4 =	vunpack.i.u.bf16.f32 v4;
	v2 =	vadd.f32 v40, v2  }
0x131: {  	v1 =	vadd.f32 v4, v1;
	v4 =	vunpack.i.l.bf16.f32 v37  }
0x132: {  	v3 =	vunpack.i.u.bf16.f32 v3;
	v2 =	vadd.f32 v4, v2;
	v4 =	vld [tilespmem:s18+$0x40]  }
0x133: {  	v1 =	vadd.f32 v3, v1;
	v3 =	vunpack.i.l.bf16.f32 v39  }
0x134: {  	v5 =	vunpack.i.u.bf16.f32 v5;
	v2 =	vadd.f32 v3, v2;
	v3 =	vld [tilespmem:s18+$0x80]  }
0x135: {  	v1 =	vadd.f32 v5, v1;
	v5 =	vunpack.i.l.bf16.f32 v41  }
0x136: {  	v6 =	vunpack.i.u.bf16.f32 v33;
	v2 =	vadd.f32 v5, v2;
	v5 =	vld [tilespmem:s18+$0xC0]  }
0x137: {  	v1 =	vadd.f32 v6, v1;
	v42 =	vunpack.i.l.bf16.f32 v4  }
0x138: {  	v43 =	vld [tilespmem:s18+$0x100];
	v7 =	vunpack.i.u.bf16.f32 v35;
	v2 =	vadd.f32 v42, v2  }
0x139: {  	v1 =	vadd.f32 v7, v1;
	v44 =	vunpack.i.l.bf16.f32 v3  }
0x13a: {  	v45 =	vld [tilespmem:s18+$0x140];
	v8 =	vunpack.i.u.bf16.f32 v37;
	v2 =	vadd.f32 v44, v2  }
0x13b: {  	v1 =	vadd.f32 v8, v1;
	v46 =	vunpack.i.l.bf16.f32 v5  }
0x13c: {  	v47 =	vld [tilespmem:s18+$0x180];
	v9 =	vunpack.i.u.bf16.f32 v39;
	v2 =	vadd.f32 v46, v2  }
0x13d: {  	v48 =	vunpack.i.l.bf16.f32 v43;
	v1 =	vadd.f32 v9, v1  }
0x13e: {  	v49 =	vld [tilespmem:s18+$0x1C0];
	v10 =	vunpack.i.u.bf16.f32 v41;
	v2 =	vadd.f32 v48, v2  }
0x13f: {  	v50 =	vunpack.i.l.bf16.f32 v45;
	v1 =	vadd.f32 v10, v1  }
0x140: {  	v51 =	vld [tilespmem:s18+$0x200];
	v4 =	vunpack.i.u.bf16.f32 v4;
	v2 =	vadd.f32 v50, v2  }
0x141: {  	v1 =	vadd.f32 v4, v1;
	v4 =	vunpack.i.l.bf16.f32 v47  }
0x142: {  	v3 =	vunpack.i.u.bf16.f32 v3;
	v2 =	vadd.f32 v4, v2;
	v4 =	vld [tilespmem:s18+$0x240]  }
0x143: {  	v1 =	vadd.f32 v3, v1;
	v3 =	vunpack.i.l.bf16.f32 v49  }
0x144: {  	v5 =	vunpack.i.u.bf16.f32 v5;
	v2 =	vadd.f32 v3, v2;
	v3 =	vld [tilespmem:s18+$0x280]  }
0x145: {  	v1 =	vadd.f32 v5, v1;
	v5 =	vunpack.i.l.bf16.f32 v51  }
0x146: {  	v6 =	vunpack.i.u.bf16.f32 v43;
	v2 =	vadd.f32 v5, v2;
	v5 =	vld [tilespmem:s18+$0x2C0]  }
0x147: {  	v1 =	vadd.f32 v6, v1;
	v52 =	vunpack.i.l.bf16.f32 v4  }
0x148: {  	v53 =	vld [tilespmem:s18+$0x300];
	v7 =	vunpack.i.u.bf16.f32 v45;
	v2 =	vadd.f32 v52, v2  }
0x149: {  	v1 =	vadd.f32 v7, v1;
	v54 =	vunpack.i.l.bf16.f32 v3  }
0x14a: {  	v55 =	vld [tilespmem:s18+$0x340];
	v8 =	vunpack.i.u.bf16.f32 v47;
	v2 =	vadd.f32 v54, v2  }
0x14b: {  	s5 =	sadd.s32 s1, s13;
	v1 =	vadd.f32 v8, v1;
	v56 =	vunpack.i.l.bf16.f32 v5  }
0x14c: {  	v57 =	vld [tilespmem:s18+$0x380];
	v11 =	vmov s5;
	v9 =	vunpack.i.u.bf16.f32 v49;
	v2 =	vadd.f32 v56, v2  }
0x14d: {  	v58 =	vunpack.i.l.bf16.f32 v53;
	v1 =	vadd.f32 v9, v1  }
0x14e: {  	v59 =	vld [tilespmem:s18+$0x3C0];
	v10 =	vunpack.i.u.bf16.f32 v51;
	v2 =	vadd.f32 v58, v2  }
0x14f: {  	v10 =	vadd.f32 v10, v1;
	v1 =	vunpack.i.l.bf16.f32 v55  }
0x150: {  	v4 =	vunpack.i.u.bf16.f32 v4;
	v2 =	vadd.f32 v1, v2  }
0x151: {  	v60 =	vunpack.i.l.bf16.f32 v57;
	v4 =	vadd.f32 v4, v10;
	v1 =	vld.idx.msk [tilespmem:v11+s25+$0x0], $0xffff  }
0x152: {  	v61 =	vld [tilespmem:s26+$0x0];
	v3 =	vunpack.i.u.bf16.f32 v3;
	v2 =	vadd.f32 v60, v2  }
0x153: {  	v3 =	vadd.f32 v3, v4;
	v4 =	vunpack.i.l.bf16.f32 v59  }
0x154: {  	s8 =	simm.s32 $0x0;
	v2 =	vadd.f32 v4, v2;
	v4 =	vunpack.i.u.bf16.f32 v5  }
0x155: {  	v3 =	vadd.f32 v4, v3;
	v4 =	vld [tilespmem:s8+$0xD100]  }
0x156: {  	v5 =	vunpack.i.u.bf16.f32 v53;
	v2 =	vmul.f32 v2, v1  }
0x157: {  	v3 =	vadd.f32 v5, v3;
	v5 =	vunpack.i.l.bf16.f32 v61  }
0x158: {  	v62 =	vunpack.i.u.bf16.f32 v55;
	v5 =	vadd.f32 v5, v2;
	v2 =	vmov s30  }
0x159: {  	v3 =	vadd.f32 v62, v3  }
0x15a: {  	v63 =	vunpack.i.u.bf16.f32 v57;
	v4 =	vadd.f32 v4, v5  }
0x15b: {  	v3 =	vadd.f32 v63, v3  }
0x15c: {  	v5 =	vunpack.i.u.bf16.f32 v59;
	v4 =	vmax.f32 v4, $0.0e+00  }
0x15d: {  	v3 =	vadd.f32 v5, v3;
	[tilespmem:v2+s8+$0x0 ss:$0x1] =	vst.idx.msk $0xffff, v4  }
0x15e: {  	v4 =	vld [tilespmem:s8+$0xD110]  }
0x15f: {  	v3 =	vmul.f32 v3, v1  }
0x160: {  	v5 =	vunpack.i.u.bf16.f32 v61  }
0x161: {  	v3 =	vadd.f32 v5, v3;
	_ =	sdelay $0x1  }
0x162: {  	v3 =	vadd.f32 v4, v3;
	_ =	sdelay $0x1  }
0x163: {  	s6 =	smov.u32 s18;
	s23 =	smov.u32 s26;
	s5 =	simm.s32 $0x80;
	v3 =	vmax.f32 v3, $0.0e+00  }
.LBB2_14:
0x164: {  	p0 =	sne.s32 s5, $0x180;
	[tilespmem:v2+s8+$0x10 ss:$0x1] =	vst.idx.msk $0xffff, v3;
	s6 =	sadd.s32 $0x10, s6;
	s23 =	sadd.s32 $0x10, s23  }
0x165: {  	s8 =	smov.u32 s5;
	s5 =	sadd.s32 $0x80, s5;
	v3 =	vld [tilespmem:s6+$0xFFFFFC00];
	_ =	sdelay $0x1  }
0x166: {  	v4 =	vld [tilespmem:s6+$0xFFFFFC40];
	_ =	sdelay $0x1  }
0x167: {  	v5 =	vld [tilespmem:s6+$0xFFFFFC80]  }
0x168: {  	v6 =	vunpack.i.u.bf16.f32 v3;
	v3 =	vunpack.i.l.bf16.f32 v3  }
0x169: {  	v3 =	vadd.f32 $0.0e+00, v3;
	v6 =	vadd.f32 $0.0e+00, v6;
	v7 =	vld [tilespmem:s6+$0xFFFFFCC0]  }
0x16a: {  	v8 =	vunpack.i.u.bf16.f32 v4;
	v4 =	vunpack.i.l.bf16.f32 v4  }
0x16b: {  	v3 =	vadd.f32 v4, v3;
	v4 =	vadd.f32 v8, v6;
	v6 =	vld [tilespmem:s6+$0xFFFFFD00]  }
0x16c: {  	v8 =	vunpack.i.u.bf16.f32 v5;
	v5 =	vunpack.i.l.bf16.f32 v5  }
0x16d: {  	v3 =	vadd.f32 v5, v3;
	v4 =	vadd.f32 v8, v4;
	v5 =	vld [tilespmem:s6+$0xFFFFFD40]  }
0x16e: {  	v8 =	vunpack.i.u.bf16.f32 v7;
	v7 =	vunpack.i.l.bf16.f32 v7  }
0x16f: {  	v3 =	vadd.f32 v7, v3;
	v4 =	vadd.f32 v8, v4;
	v7 =	vld [tilespmem:s6+$0xFFFFFD80]  }
0x170: {  	v8 =	vunpack.i.u.bf16.f32 v6;
	v6 =	vunpack.i.l.bf16.f32 v6  }
0x171: {  	v3 =	vadd.f32 v6, v3;
	v4 =	vadd.f32 v8, v4;
	v6 =	vld [tilespmem:s6+$0xFFFFFDC0]  }
0x172: {  	v8 =	vunpack.i.u.bf16.f32 v5;
	v5 =	vunpack.i.l.bf16.f32 v5  }
0x173: {  	v3 =	vadd.f32 v5, v3;
	v4 =	vadd.f32 v8, v4;
	v5 =	vld [tilespmem:s6+$0xFFFFFE00]  }
0x174: {  	v8 =	vunpack.i.u.bf16.f32 v7;
	v7 =	vunpack.i.l.bf16.f32 v7  }
0x175: {  	v3 =	vadd.f32 v7, v3;
	v4 =	vadd.f32 v8, v4;
	v7 =	vld [tilespmem:s6+$0xFFFFFE40]  }
0x176: {  	v8 =	vunpack.i.u.bf16.f32 v6;
	v6 =	vunpack.i.l.bf16.f32 v6  }
0x177: {  	v3 =	vadd.f32 v6, v3;
	v4 =	vadd.f32 v8, v4;
	v6 =	vld [tilespmem:s6+$0xFFFFFE80]  }
0x178: {  	v8 =	vunpack.i.u.bf16.f32 v5;
	v5 =	vunpack.i.l.bf16.f32 v5  }
0x179: {  	v3 =	vadd.f32 v5, v3;
	v4 =	vadd.f32 v8, v4;
	v5 =	vld [tilespmem:s6+$0xFFFFFEC0]  }
0x17a: {  	v8 =	vunpack.i.u.bf16.f32 v7;
	v7 =	vunpack.i.l.bf16.f32 v7  }
0x17b: {  	v3 =	vadd.f32 v7, v3;
	v4 =	vadd.f32 v8, v4;
	v7 =	vld [tilespmem:s6+$0xFFFFFF00]  }
0x17c: {  	v8 =	vunpack.i.u.bf16.f32 v6;
	v6 =	vunpack.i.l.bf16.f32 v6  }
0x17d: {  	v3 =	vadd.f32 v6, v3;
	v4 =	vadd.f32 v8, v4;
	v6 =	vld [tilespmem:s6+$0xFFFFFF40]  }
0x17e: {  	v8 =	vunpack.i.u.bf16.f32 v5;
	v5 =	vunpack.i.l.bf16.f32 v5  }
0x17f: {  	v3 =	vadd.f32 v5, v3;
	v4 =	vadd.f32 v8, v4;
	v5 =	vld [tilespmem:s6+$0xFFFFFF80]  }
0x180: {  	v8 =	vunpack.i.u.bf16.f32 v7;
	v7 =	vunpack.i.l.bf16.f32 v7  }
0x181: {  	v3 =	vadd.f32 v7, v3;
	v4 =	vadd.f32 v8, v4;
	v7 =	vld [tilespmem:s6+$0xFFFFFFC0]  }
0x182: {  	v8 =	vunpack.i.u.bf16.f32 v6;
	v6 =	vunpack.i.l.bf16.f32 v6  }
0x183: {  	v3 =	vadd.f32 v6, v3;
	v4 =	vadd.f32 v8, v4;
	v6 =	vld [tilespmem:s6+$0x0]  }
0x184: {  	v8 =	vunpack.i.u.bf16.f32 v5;
	v5 =	vunpack.i.l.bf16.f32 v5  }
0x185: {  	v3 =	vadd.f32 v5, v3;
	v4 =	vadd.f32 v8, v4;
	v5 =	vld [tilespmem:s6+$0x40]  }
0x186: {  	v8 =	vunpack.i.u.bf16.f32 v7;
	v7 =	vunpack.i.l.bf16.f32 v7  }
0x187: {  	v3 =	vadd.f32 v7, v3;
	v4 =	vadd.f32 v8, v4;
	v7 =	vld [tilespmem:s6+$0x80]  }
0x188: {  	v8 =	vunpack.i.u.bf16.f32 v6;
	v6 =	vunpack.i.l.bf16.f32 v6  }
0x189: {  	v3 =	vadd.f32 v6, v3;
	v4 =	vadd.f32 v8, v4;
	v6 =	vld [tilespmem:s6+$0xC0]  }
0x18a: {  	v8 =	vunpack.i.u.bf16.f32 v5;
	v5 =	vunpack.i.l.bf16.f32 v5  }
0x18b: {  	v3 =	vadd.f32 v5, v3;
	v4 =	vadd.f32 v8, v4;
	v5 =	vld [tilespmem:s6+$0x100]  }
0x18c: {  	v8 =	vunpack.i.u.bf16.f32 v7;
	v7 =	vunpack.i.l.bf16.f32 v7  }
0x18d: {  	v3 =	vadd.f32 v7, v3;
	v4 =	vadd.f32 v8, v4;
	v7 =	vld [tilespmem:s6+$0x140]  }
0x18e: {  	v8 =	vunpack.i.u.bf16.f32 v6;
	v6 =	vunpack.i.l.bf16.f32 v6  }
0x18f: {  	v3 =	vadd.f32 v6, v3;
	v4 =	vadd.f32 v8, v4;
	v6 =	vld [tilespmem:s6+$0x180]  }
0x190: {  	v8 =	vunpack.i.u.bf16.f32 v5;
	v5 =	vunpack.i.l.bf16.f32 v5  }
0x191: {  	v3 =	vadd.f32 v5, v3;
	v4 =	vadd.f32 v8, v4;
	v5 =	vld [tilespmem:s6+$0x1C0]  }
0x192: {  	v8 =	vunpack.i.u.bf16.f32 v7;
	v7 =	vunpack.i.l.bf16.f32 v7  }
0x193: {  	v3 =	vadd.f32 v7, v3;
	v4 =	vadd.f32 v8, v4;
	v7 =	vld [tilespmem:s6+$0x200]  }
0x194: {  	v8 =	vunpack.i.u.bf16.f32 v6;
	v6 =	vunpack.i.l.bf16.f32 v6  }
0x195: {  	v3 =	vadd.f32 v6, v3;
	v4 =	vadd.f32 v8, v4;
	v6 =	vld [tilespmem:s6+$0x240]  }
0x196: {  	v8 =	vunpack.i.u.bf16.f32 v5;
	v5 =	vunpack.i.l.bf16.f32 v5  }
0x197: {  	v3 =	vadd.f32 v5, v3;
	v4 =	vadd.f32 v8, v4;
	v5 =	vld [tilespmem:s6+$0x280]  }
0x198: {  	v8 =	vunpack.i.u.bf16.f32 v7;
	v7 =	vunpack.i.l.bf16.f32 v7  }
0x199: {  	v3 =	vadd.f32 v7, v3;
	v4 =	vadd.f32 v8, v4;
	v7 =	vld [tilespmem:s6+$0x2C0]  }
0x19a: {  	v8 =	vunpack.i.u.bf16.f32 v6;
	v6 =	vunpack.i.l.bf16.f32 v6  }
0x19b: {  	v3 =	vadd.f32 v6, v3;
	v4 =	vadd.f32 v8, v4;
	v6 =	vld [tilespmem:s6+$0x300]  }
0x19c: {  	v8 =	vunpack.i.u.bf16.f32 v5;
	v5 =	vunpack.i.l.bf16.f32 v5  }
0x19d: {  	v3 =	vadd.f32 v5, v3;
	v4 =	vadd.f32 v8, v4;
	v5 =	vld [tilespmem:s6+$0x340]  }
0x19e: {  	v8 =	vunpack.i.u.bf16.f32 v7;
	v7 =	vunpack.i.l.bf16.f32 v7  }
0x19f: {  	v3 =	vadd.f32 v7, v3;
	v4 =	vadd.f32 v8, v4;
	v7 =	vld [tilespmem:s6+$0x380]  }
0x1a0: {  	v8 =	vunpack.i.u.bf16.f32 v6;
	v6 =	vunpack.i.l.bf16.f32 v6  }
0x1a1: {  	v3 =	vadd.f32 v6, v3;
	v4 =	vadd.f32 v8, v4;
	v6 =	vld [tilespmem:s6+$0x3C0]  }
0x1a2: {  	v8 =	vunpack.i.u.bf16.f32 v5;
	v5 =	vunpack.i.l.bf16.f32 v5  }
0x1a3: {  	v3 =	vadd.f32 v5, v3;
	v4 =	vadd.f32 v8, v4  }
0x1a4: {  	v5 =	vunpack.i.u.bf16.f32 v7;
	v7 =	vunpack.i.l.bf16.f32 v7  }
0x1a5: {  	v3 =	vadd.f32 v7, v3;
	v4 =	vadd.f32 v5, v4;
	v5 =	vld [tilespmem:s23+$0x0]  }
0x1a6: {  	v7 =	vunpack.i.u.bf16.f32 v6;
	v6 =	vunpack.i.l.bf16.f32 v6  }
0x1a7: {  	s8 =	sshra.s32 s8, $0x2;
	v3 =	vadd.f32 v6, v3;
	v4 =	vadd.f32 v7, v4  }
0x1a8: {  	v6 =	vld [tilespmem:s8+$0xD100]  }
0x1a9: {  	v3 =	vmul.f32 v3, v1;
	v4 =	vmul.f32 v4, v1  }
0x1aa: {  	v7 =	vunpack.i.l.bf16.f32 v5  }
0x1ab: {  	v3 =	vadd.f32 v7, v3;
	_ =	sdelay $0x1  }
0x1ac: {  	v3 =	vadd.f32 v6, v3;
	_ =	sdelay $0x1  }
0x1ad: {  	v3 =	vmax.f32 v3, $0.0e+00  }
0x1ae: {  	[tilespmem:v2+s8+$0x0 ss:$0x1] =	vst.idx.msk $0xffff, v3  }
0x1af: {  	v3 =	vld [tilespmem:s8+$0xD110];
	_ =	sdelay $0x1  }
0x1b0: {  	v5 =	vunpack.i.u.bf16.f32 v5  }
.Ltmp5:
0x1b1: {  	v4 =	vadd.f32 v5, v4;
	(pc) =	sbr.rel @p0 .LBB2_14-.Ltmp5, $3  }
0x1b2: {  	_ = 	snop  }
0x1b3: {  	v3 =	vadd.f32 v3, v4;
	_ =	sdelay $0x1  }
0x1b4: {  	v3 =	vmax.f32 v3, $0.0e+00  }
0x1b5: {  	s13 =	sadd.s32 $0x1, s13  }
0x1b6: {  	p0 =	sne.s32 s13, $0x4  }
.Ltmp6:
0x1b7: {  	_ = 	snop;
	(pc) =	sbr.rel @p0 .LBB2_13-.Ltmp6, $2  }
0x1b8: {  	_ =	sdelay $0x2  }
0x1b9: {  	[tilespmem:v2+s8+$0x10 ss:$0x1] =	vst.idx.msk $0xffff, v3;
	s18 =	sadd.s32 $0x800, s18;
	s26 =	sadd.s32 $0x40, s26;
	s30 =	sadd.s32 $0x80, s30  }
0x1ba: {  	s29 =	sadd.s32 $0x1, s29  }
0x1bb: {  	p0 =	sne.s32 s29, $0x10  }
.Ltmp7:
0x1bc: {  	_ = 	snop;
	(pc) =	sbr.rel @p0 .LBB2_8-.Ltmp7, $3  }
0x1bd: {  	_ =	sdelay $0x1  }
0x1be: {  	s7 =	sadd.s32 $0x200, s7  }
0x1bf: {  	s22 =	sadd.s32 $0x400, s22;
	s0 =	sadd.s32 $0x200, s0;
	s4 =	sadd.s32 $0x400, s4  }
0x1c0: {  	s28 =	sadd.s32 $0x1, s28  }
0x1c1: {  	p0 =	sne.s32 s28, s11  }
.Ltmp8:
0x1c2: {  	s0 =	simm.s32 $0x9100;
	(pc) =	sbr.rel @p0 .LBB2_1-.Ltmp8, $4  }
0x1c3: {  	[hbm4b:s10+s3] =	stream.linear.scatter [tilespmem:s0], [sflag:$0x4], $0x4000, $0x38;
	[tilespmem:$0x17180] =	vst v63  }
0x1c4: {  	_ =	swait.ge [sflag:s12], $0x4000  }
0x1c5: {  	[sflag:s12] =	ssyncset.done $0x0  }
0x1c6: {  	[sflag:s12] =	ssyncadd.s32 $0xFFFFC000  }
0x1c7: {  	_ =	sfence.sel $0x180000  }
0x1c8: {  	[bflag:$0x0] =	sbarrier.arrive $0xFFFF  }
0x1c9: {  	_ =	strace $0x90000047  }
0x1ca: {  	s0 =	stileid.u32;
	[bflag:$0x2] =	sbarrier.arrive $0xFFFF  }
0x1cb: {  	p0 =	sne.s32 s0, $0x0;
	s0 =	rddreg [dreg:$0x5]  }
0x1cc: {  	s0 =	sadd.s32 @!p0 $0x100000, s0  }
0x1cd: {  	[sflag:s0] =	ssyncadd.tile.s32 @!p0 $0x1;
	_ =	shalt  }
.Lfunc_end2:
_tile_overlayer_lowered:
.L_overlay_start_2:
0x1ce: {  	(tag) =	ssettag $0x2  }
0x1cf: {  	s0 =	rddreg [dreg:$0x0];
	s2 =	stileid.u32  }
0x1d0: {  	s1 =	rddreg [dreg:$0x1];
	p0 =	sne.s32 s2, $0x0  }
0x1d1: {  	s3 =	rddreg [dreg:$0x2];
	[bflag:$0x3] =	sbarrier.arrive $0xFFFF;
	s2 =	simm.s32 @!p0 $0x1C04  }
0x1d2: {  	[timem:s3], [sflag:s2] =	dma.local @!p0 [hbm:s0], s1  }
0x1d3: {  	s0 =	simm.s32 @!p0 $0x4  }
0x1d4: {  	_ =	swait.ge @!p0 [sflag:s0], s1  }
0x1d5: {  	s1 =	ssub.s32 @!p0 $0x0, s1;
	[sflag:s0] =	ssyncset.done @!p0 $0x0  }
0x1d6: {  	[sflag:s0] =	ssyncadd.s32 @!p0 s1  }
0x1d7: {  	[bflag:$0x3] =	sbarrier.arrive $0xFFFF  }
0x1d8: {  	_ =	shalt  }

</sc_bundles>
